<compile_context>
chip_gen: v7x
topology: tpu7x:2x2x1
jax: 0.10.2.dev20260603
libtpu: 0.0.44.dev20260713+nightly
codegen_flags: <defaults>
</compile_context>

<pallas_src>
import functools

import jax
import jax.numpy as jnp
from jax import lax
from jax.experimental import pallas as pl
from jax.experimental.pallas import tpu as pltpu
from jax.experimental.pallas import tpu_sc as plsc

VOCAB = 100000
HIDDEN = 1024
MAXPOS = 2048
TYPES = 2
EPS = 1e-12
BATCH = 4
SEQ = 2048

N_TOKENS = BATCH * SEQ

NC = 2
NS = 16
NW = NC * NS

SLICE_SEQ = (512, 1536)
SLICE_OFF = tuple(sum(SLICE_SEQ[:i]) for i in range(len(SLICE_SEQ)))
N_SLICES = len(SLICE_SEQ)
CHUNK = 32


def _sc_gather(s, ids_flat, token_table):
    seq_len = SLICE_SEQ[s]
    seq_off = SLICE_OFF[s]
    n_rows = BATCH * seq_len
    tok_per_w = n_rows // NW
    n_chunks = tok_per_w // CHUNK
    nbuf = min(n_chunks, 3, max(1, 393216 // (CHUNK * HIDDEN * 4)))
    mesh = plsc.VectorSubcoreMesh(core_axis_name="c", subcore_axis_name="s")

    @functools.partial(
        pl.kernel,
        mesh=mesh,
        out_type=jax.ShapeDtypeStruct((n_rows, HIDDEN), jnp.float32),
        scratch_types=[
            pltpu.VMEM((tok_per_w,), jnp.int32),
            pltpu.VMEM((nbuf, CHUNK, HIDDEN), jnp.float32),
            pltpu.SemaphoreType.DMA((n_chunks,)),
            pltpu.SemaphoreType.DMA((n_chunks,)),
        ],
    )
    def k(table_hbm, ids_hbm, out_hbm, idx_v, rows_v, gsem, osem):
        wid = lax.axis_index("s") * NC + lax.axis_index("c")
        r = wid * tok_per_w
        b = r // seq_len
        p0 = r % seq_len
        gbase = b * SEQ + seq_off + p0
        pltpu.sync_copy(ids_hbm.at[pl.ds(gbase, tok_per_w)], idx_v)

        def start_gather(c):
            return pltpu.async_copy(
                table_hbm.at[idx_v.at[pl.ds(c * CHUNK, CHUNK)]],
                rows_v.at[c % nbuf], gsem.at[c])

        gathers = [start_gather(c) for c in range(nbuf)]
        outs = []
        for c in range(n_chunks):
            gathers[c].wait()
            o = pltpu.async_copy(
                rows_v.at[c % nbuf], out_hbm.at[pl.ds(r + c * CHUNK, CHUNK)],
                osem.at[c])
            outs.append(o)
            if c + nbuf < n_chunks:
                o.wait()
                gathers.append(start_gather(c + nbuf))
        for c in range(max(n_chunks - nbuf, 0), n_chunks):
            outs[c].wait()

    return k(token_table, ids_flat)


ROWS_BLK = 512
TID_BLOCKS = SEQ // ROWS_BLK


def _tc_epilogue_body(tid_ref, tok_ref, pos_ref, typ_ref, gamma_ref, beta_ref,
                      *rest):
    out_ref = rest[-1]
    x = tok_ref[...] + pos_ref[...]
    te = jnp.where(tid_ref[...] == 0, typ_ref[0:1, :], typ_ref[1:2, :])
    x = x + te
    mean = jnp.mean(x, axis=-1, keepdims=True)
    xc = x - mean
    var = jnp.mean(xc * xc, axis=-1, keepdims=True)
    y = xc * lax.rsqrt(var + EPS)
    out_ref[...] = y * gamma_ref[...] + beta_ref[...]


def _tc_epilogue_slice(s, acc, tok_rows, tid_col, pos_table, type_table,
                       gamma2d, beta2d):
    seq_len = SLICE_SEQ[s]
    seq_off = SLICE_OFF[s]
    nblk = seq_len // ROWS_BLK
    off_blk = seq_off // ROWS_BLK

    in_specs = [
        pl.BlockSpec((ROWS_BLK, 1),
                     lambda i, b: (b * TID_BLOCKS + off_blk + i, 0)),
        pl.BlockSpec((ROWS_BLK, HIDDEN), lambda i, b: (b * nblk + i, 0)),
        pl.BlockSpec((ROWS_BLK, HIDDEN), lambda i, b: (off_blk + i, 0)),
        pl.BlockSpec((TYPES, HIDDEN), lambda i, b: (0, 0)),
        pl.BlockSpec((1, HIDDEN), lambda i, b: (0, 0)),
        pl.BlockSpec((1, HIDDEN), lambda i, b: (0, 0)),
    ]
    args = [tid_col, tok_rows, pos_table, type_table, gamma2d, beta2d]
    io_aliases = {}
    if acc is not None:
        in_specs.append(pl.BlockSpec(memory_space=pl.ANY))
        args.append(acc)
        io_aliases = {6: 0}
    return pl.pallas_call(
        _tc_epilogue_body,
        grid=(nblk, BATCH),
        in_specs=in_specs,
        out_specs=pl.BlockSpec(
            (ROWS_BLK, HIDDEN),
            lambda i, b: (b * TID_BLOCKS + off_blk + i, 0)),
        out_shape=jax.ShapeDtypeStruct((N_TOKENS, HIDDEN), jnp.float32),
        input_output_aliases=io_aliases,
    )(*args)


def kernel(input_ids, token_type_ids, token_table, pos_table, type_table,
           gamma, beta):
    ids_flat = input_ids.reshape(-1).astype(jnp.int32)
    tid_col = token_type_ids.reshape(N_TOKENS, 1).astype(jnp.int32)
    gamma2d = gamma.reshape(1, HIDDEN)
    beta2d = beta.reshape(1, HIDDEN)

    gathered = [_sc_gather(s, ids_flat, token_table)
                for s in range(N_SLICES)]
    acc = None
    for s in range(N_SLICES):
        acc = _tc_epilogue_slice(s, acc, gathered[s], tid_col,
                                 pos_table, type_table, gamma2d, beta2d)
    return acc.reshape(BATCH, SEQ, HIDDEN)

# --- scband reference (transcript-rebuilt; emitter-appended) ---
"""Pipeline reference for scband-claustrum-embeddings-11716670783846 (READ-ONLY COPY).

The authoritative reference and input builder live on the scoring server;
editing this copy changes nothing except your own understanding.
"""

import jax, jax.numpy as jnp
import numpy as np

VOCAB = 100000
HIDDEN = 1024
MAXPOS = 2048
TYPES = 2
EPS = 1e-12
BATCH = 4
SEQ = 2048


def setup_inputs(seed: int = 0) -> dict:
    key = jax.random.key(seed)
    ks = jax.random.split(key, 6)
    input_ids = jax.random.randint(ks[0], (BATCH, SEQ), 0, VOCAB, dtype=jnp.int64 if jax.config.jax_enable_x64 else jnp.int32)
    token_type_ids = jax.random.randint(ks[1], (BATCH, SEQ), 0, TYPES, dtype=input_ids.dtype)
    token_table = jax.random.normal(ks[2], (VOCAB, HIDDEN), dtype=jnp.float32) * 0.02
    token_table = token_table.at[0].set(0.0)  # padding_idx row zero-initialized
    pos_table = jax.random.normal(ks[3], (MAXPOS, HIDDEN), dtype=jnp.float32) * 0.02
    type_table = jax.random.normal(ks[4], (TYPES, HIDDEN), dtype=jnp.float32) * 0.02
    gamma = jnp.ones((HIDDEN,), dtype=jnp.float32)
    beta = jnp.zeros((HIDDEN,), dtype=jnp.float32)
    return {
        "input_ids": input_ids,
        "token_type_ids": token_type_ids,
        "token_table": token_table,
        "pos_table": pos_table,
        "type_table": type_table,
        "gamma": gamma,
        "beta": beta,
    }


def reference(input_ids, token_type_ids, token_table, pos_table, type_table, gamma, beta):
    batch, seq = input_ids.shape
    position_ids = jnp.arange(seq)[None, :]  # buffer slice [:, :seq_length]
    token_embeds = jnp.take(token_table, input_ids, axis=0)
    position_embeds = jnp.take(pos_table, position_ids, axis=0)  # [1, S, H] broadcasts
    type_embeds = jnp.take(type_table, token_type_ids, axis=0)
    embeddings = token_embeds + position_embeds + type_embeds
    mean = jnp.mean(embeddings, axis=-1, keepdims=True)
    var = jnp.mean(jnp.square(embeddings - mean), axis=-1, keepdims=True)
    normed = (embeddings - mean) / jnp.sqrt(var + EPS)
    out = normed * gamma + beta
    # dropout is identity in eval mode
    return out

if __name__ == "__main__":
    import jax
    _d = setup_inputs()
    print(jax.jit(kernel)(*tuple(_d.values())))

</pallas_src>

<mosaic_0001>
#map = affine_map<(d0, d1) -> (0, 0)>
#map1 = affine_map<(d0, d1) -> (0)>
module attributes {stable_mosaic.version = 14 : i64} {
  func.func @k(%arg0: i32, %arg1: i32, %arg2: memref<100000x1024xf32, #tpu.memory_space<hbm>>, %arg3: memref<8192xi32, #tpu.memory_space<hbm>>, %arg4: memref<6144x1024xf32, #tpu.memory_space<hbm>>, %arg5: memref<192xi32, #tpu.memory_space<vmem>>, %arg6: memref<3x32x1024xf32, #tpu.memory_space<vmem>>, %arg7: memref<6x!tpu.dma_semaphore, #tpu.memory_space<semaphore_mem>>, %arg8: memref<6x!tpu.dma_semaphore, #tpu.memory_space<semaphore_mem>>) attributes {dimension_semantics = [#tpu.dimension_semantics<core_parallel>, #tpu.dimension_semantics<subcore_parallel>], iteration_bounds = array<i64: 2, 16>, scalar_prefetch = 0 : i64, scratch_operands = 4 : i64, tpu.core_type = #tpu.core_type<sc_vector_subcore>, window_params = [{transform_indices = #map}, {transform_indices = #map1}, {transform_indices = #map}]} {
    %mul3A = arith.constant 2 : i32
    %mul3A_0 = arith.muli %arg1, %mul3A : i32
    %add3A = arith.addi %mul3A_0, %arg0 : i32
    %mul3A_1 = arith.constant 192 : i32
    %mul3A_2 = arith.muli %add3A, %mul3A_1 : i32
    %jit3A = arith.constant 1536 : i32
    %div3A = arith.divsi %mul3A_2, %jit3A : i32
    %sign3A = arith.constant 0 : i32
    %sign3A_3 = arith.cmpi sgt, %mul3A_2, %sign3A : i32
    %sign3A_4 = arith.extui %sign3A_3 : i1 to i32
    %sign3A_5 = arith.constant 0 : i32
    %sign3A_6 = arith.cmpi slt, %mul3A_2, %sign3A_5 : i32
    %sign3A_7 = arith.extui %sign3A_6 : i1 to i32
    %sign3A_8 = arith.subi %sign3A_4, %sign3A_7 : i32
    %sign3A_9 = arith.constant 0 : i32
    %sign3A_10 = arith.cmpi sgt, %jit3A, %sign3A_9 : i32
    %sign3A_11 = arith.extui %sign3A_10 : i1 to i32
    %sign3A_12 = arith.constant 0 : i32
    %sign3A_13 = arith.cmpi slt, %jit3A, %sign3A_12 : i32
    %sign3A_14 = arith.extui %sign3A_13 : i1 to i32
    %sign3A_15 = arith.subi %sign3A_11, %sign3A_14 : i32
    %ne3A = arith.cmpi ne, %sign3A_8, %sign3A_15 : i32
    %rem3A = arith.remsi %mul3A_2, %jit3A : i32
    %ne3A_16 = arith.constant 0 : i32
    %ne3A_17 = arith.cmpi ne, %rem3A, %ne3A_16 : i32
    %and3A = arith.andi %ne3A, %ne3A_17 : i1
    %sub3A = arith.constant 1 : i32
    %sub3A_18 = arith.subi %div3A, %sub3A : i32
    %select_n3A = arith.select %and3A, %sub3A_18, %div3A : i32
    %jit3A_19 = arith.constant 1536 : i32
    %eq3A = arith.constant 0 : i32
    %eq3A_20 = arith.cmpi eq, %jit3A_19, %eq3A : i32
    %jit3A_21 = arith.constant 1 : i32
    %select_n3A_22 = arith.select %eq3A_20, %jit3A_21, %jit3A_19 : i32
    %rem3A_23 = arith.remsi %mul3A_2, %select_n3A_22 : i32
    %ne3A_24 = arith.constant 0 : i32
    %ne3A_25 = arith.cmpi ne, %rem3A_23, %ne3A_24 : i32
    %lt3A = arith.constant 0 : i32
    %lt3A_26 = arith.cmpi slt, %rem3A_23, %lt3A : i32
    %lt3A_27 = arith.constant 0 : i32
    %lt3A_28 = arith.cmpi slt, %select_n3A_22, %lt3A_27 : i32
    %ne3A_29 = arith.xori %lt3A_26, %lt3A_28 : i1
    %and3A_30 = arith.andi %ne3A_29, %ne3A_25 : i1
    %add3A_31 = arith.addi %rem3A_23, %select_n3A_22 : i32
    %select_n3A_32 = arith.select %and3A_30, %add3A_31, %rem3A_23 : i32
    %mul3A_33 = arith.constant 2048 : i32
    %mul3A_34 = arith.muli %select_n3A, %mul3A_33 : i32
    %add3A_35 = arith.constant 512 : i32
    %add3A_36 = arith.addi %mul3A_34, %add3A_35 : i32
    %add3A_37 = arith.addi %add3A_36, %select_n3A_32 : i32
    "tpu.region"() ({
      %run_scoped3A = tpu.sem_alloc : memref<!tpu.dma_semaphore, #tpu.memory_space<semaphore_mem>>
      %dma_start3A_396 = tpu.memref_slice %arg3[%add3A_37] : memref<8192xi32, #tpu.memory_space<hbm>> -> memref<192xi32, #tpu.memory_space<hbm>>
      %dma_start3A_397 = tpu.memref_slice %arg3[%add3A_37] : memref<8192xi32, #tpu.memory_space<hbm>> -> memref<192xi32, #tpu.memory_space<hbm>>
      tpu.enqueue_dma source(%dma_start3A_397 : memref<192xi32, #tpu.memory_space<hbm>>) target(%arg5 : memref<192xi32, #tpu.memory_space<vmem>>) target_semaphore(%run_scoped3A : memref<!tpu.dma_semaphore, #tpu.memory_space<semaphore_mem>>)
      %dma_wait3A_398 = tpu.memref_slice %arg3[%add3A_37] : memref<8192xi32, #tpu.memory_space<hbm>> -> memref<192xi32, #tpu.memory_space<hbm>>
      %dma_wait3A_399 = tpu.memref_slice %arg3[%add3A_37] : memref<8192xi32, #tpu.memory_space<hbm>> -> memref<192xi32, #tpu.memory_space<hbm>>
      tpu.wait_dma2 semaphore(%run_scoped3A : memref<!tpu.dma_semaphore, #tpu.memory_space<semaphore_mem>>) src(%dma_wait3A_399 : memref<192xi32, #tpu.memory_space<hbm>>) dst(%arg5 : memref<192xi32, #tpu.memory_space<vmem>>)
      tpu.yield
    }) : () -> ()
    %dma_start3A = arith.constant 0 : i32
    %dma_start3A_38 = arith.constant 0 : i32
    %dma_start3A_39 = arith.constant 0 : i32
    %dma_start3A_40 = arith.constant 0 : i32
    %dma_start3A_41 = tpu.memref_slice %arg6[%dma_start3A, %dma_start3A_39, %dma_start3A_40] : memref<3x32x1024xf32, #tpu.memory_space<vmem>> -> memref<1x32x1024xf32, #tpu.memory_space<vmem>>
    %dma_start3A_42 = tpu.memref_squeeze %dma_start3A_41 : memref<1x32x1024xf32, #tpu.memory_space<vmem>> -> memref<32x1024xf32, #tpu.memory_space<vmem>>
    %dma_start3A_43 = arith.constant 0 : i32
    %dma_start3A_44 = tpu.memref_slice %arg5[%dma_start3A_43] : memref<192xi32, #tpu.memory_space<vmem>> -> memref<32xi32, #tpu.memory_space<vmem>>
    %dma_start3A_45 = arith.constant 0 : i32
    %dma_start3A_46 = arith.constant 0 : i32
    %dma_start3A_47 = tpu.memref_slice %arg2[%dma_start3A_45, %dma_start3A_46] : memref<100000x1024xf32, #tpu.memory_space<hbm>> -> memref<100000x1024xf32, #tpu.memory_space<hbm>>
    %dma_start3A_48 = tpu.memref_slice %arg7[%dma_start3A_38] : memref<6x!tpu.dma_semaphore, #tpu.memory_space<semaphore_mem>> -> memref<1x!tpu.dma_semaphore, #tpu.memory_space<semaphore_mem>>
    %dma_start3A_49 = tpu.memref_squeeze %dma_start3A_48 : memref<1x!tpu.dma_semaphore, #tpu.memory_space<semaphore_mem>> -> memref<!tpu.dma_semaphore, #tpu.memory_space<semaphore_mem>>
    tpu.enqueue_indirect_dma source(%dma_start3A_47 : memref<100000x1024xf32, #tpu.memory_space<hbm>>) target(%dma_start3A_42 : memref<32x1024xf32, #tpu.memory_space<vmem>>) offsets(%dma_start3A_44 : memref<32xi32, #tpu.memory_space<vmem>>) semaphore(%dma_start3A_49 : memref<!tpu.dma_semaphore, #tpu.memory_space<semaphore_mem>>)
    %dma_start3A_50 = arith.constant 1 : i32
    %dma_start3A_51 = arith.constant 1 : i32
    %dma_start3A_52 = arith.constant 0 : i32
    %dma_start3A_53 = arith.constant 0 : i32
    %dma_start3A_54 = tpu.memref_slice %arg6[%dma_start3A_50, %dma_start3A_52, %dma_start3A_53] : memref<3x32x1024xf32, #tpu.memory_space<vmem>> -> memref<1x32x1024xf32, #tpu.memory_space<vmem>>
    %dma_start3A_55 = tpu.memref_squeeze %dma_start3A_54 : memref<1x32x1024xf32, #tpu.memory_space<vmem>> -> memref<32x1024xf32, #tpu.memory_space<vmem>>
    %dma_start3A_56 = arith.constant 32 : i32
    %dma_start3A_57 = tpu.memref_slice %arg5[%dma_start3A_56] : memref<192xi32, #tpu.memory_space<vmem>> -> memref<32xi32, #tpu.memory_space<vmem>>
    %dma_start3A_58 = arith.constant 0 : i32
    %dma_start3A_59 = arith.constant 0 : i32
    %dma_start3A_60 = tpu.memref_slice %arg2[%dma_start3A_58, %dma_start3A_59] : memref<100000x1024xf32, #tpu.memory_space<hbm>> -> memref<100000x1024xf32, #tpu.memory_space<hbm>>
    %dma_start3A_61 = tpu.memref_slice %arg7[%dma_start3A_51] : memref<6x!tpu.dma_semaphore, #tpu.memory_space<semaphore_mem>> -> memref<1x!tpu.dma_semaphore, #tpu.memory_space<semaphore_mem>>
    %dma_start3A_62 = tpu.memref_squeeze %dma_start3A_61 : memref<1x!tpu.dma_semaphore, #tpu.memory_space<semaphore_mem>> -> memref<!tpu.dma_semaphore, #tpu.memory_space<semaphore_mem>>
    tpu.enqueue_indirect_dma source(%dma_start3A_60 : memref<100000x1024xf32, #tpu.memory_space<hbm>>) target(%dma_start3A_55 : memref<32x1024xf32, #tpu.memory_space<vmem>>) offsets(%dma_start3A_57 : memref<32xi32, #tpu.memory_space<vmem>>) semaphore(%dma_start3A_62 : memref<!tpu.dma_semaphore, #tpu.memory_space<semaphore_mem>>)
    %dma_start3A_63 = arith.constant 2 : i32
    %dma_start3A_64 = arith.constant 2 : i32
    %dma_start3A_65 = arith.constant 0 : i32
    %dma_start3A_66 = arith.constant 0 : i32
    %dma_start3A_67 = tpu.memref_slice %arg6[%dma_start3A_63, %dma_start3A_65, %dma_start3A_66] : memref<3x32x1024xf32, #tpu.memory_space<vmem>> -> memref<1x32x1024xf32, #tpu.memory_space<vmem>>
    %dma_start3A_68 = tpu.memref_squeeze %dma_start3A_67 : memref<1x32x1024xf32, #tpu.memory_space<vmem>> -> memref<32x1024xf32, #tpu.memory_space<vmem>>
    %dma_start3A_69 = arith.constant 64 : i32
    %dma_start3A_70 = tpu.memref_slice %arg5[%dma_start3A_69] : memref<192xi32, #tpu.memory_space<vmem>> -> memref<32xi32, #tpu.memory_space<vmem>>
    %dma_start3A_71 = arith.constant 0 : i32
    %dma_start3A_72 = arith.constant 0 : i32
    %dma_start3A_73 = tpu.memref_slice %arg2[%dma_start3A_71, %dma_start3A_72] : memref<100000x1024xf32, #tpu.memory_space<hbm>> -> memref<100000x1024xf32, #tpu.memory_space<hbm>>
    %dma_start3A_74 = tpu.memref_slice %arg7[%dma_start3A_64] : memref<6x!tpu.dma_semaphore, #tpu.memory_space<semaphore_mem>> -> memref<1x!tpu.dma_semaphore, #tpu.memory_space<semaphore_mem>>
    %dma_start3A_75 = tpu.memref_squeeze %dma_start3A_74 : memref<1x!tpu.dma_semaphore, #tpu.memory_space<semaphore_mem>> -> memref<!tpu.dma_semaphore, #tpu.memory_space<semaphore_mem>>
    tpu.enqueue_indirect_dma source(%dma_start3A_73 : memref<100000x1024xf32, #tpu.memory_space<hbm>>) target(%dma_start3A_68 : memref<32x1024xf32, #tpu.memory_space<vmem>>) offsets(%dma_start3A_70 : memref<32xi32, #tpu.memory_space<vmem>>) semaphore(%dma_start3A_75 : memref<!tpu.dma_semaphore, #tpu.memory_space<semaphore_mem>>)
    %dma_wait3A = arith.constant 0 : i32
    %dma_wait3A_76 = arith.constant 0 : i32
    %dma_wait3A_77 = arith.constant 0 : i32
    %dma_wait3A_78 = arith.constant 0 : i32
    %dma_wait3A_79 = tpu.memref_slice %arg6[%dma_wait3A, %dma_wait3A_77, %dma_wait3A_78] : memref<3x32x1024xf32, #tpu.memory_space<vmem>> -> memref<1x32x1024xf32, #tpu.memory_space<vmem>>
    %dma_wait3A_80 = tpu.memref_squeeze %dma_wait3A_79 : memref<1x32x1024xf32, #tpu.memory_space<vmem>> -> memref<32x1024xf32, #tpu.memory_space<vmem>>
    %dma_wait3A_81 = arith.constant 0 : i32
    %dma_wait3A_82 = tpu.memref_slice %arg5[%dma_wait3A_81] : memref<192xi32, #tpu.memory_space<vmem>> -> memref<32xi32, #tpu.memory_space<vmem>>
    %dma_wait3A_83 = arith.constant 0 : i32
    %dma_wait3A_84 = arith.constant 0 : i32
    %dma_wait3A_85 = tpu.memref_slice %arg2[%dma_wait3A_83, %dma_wait3A_84] : memref<100000x1024xf32, #tpu.memory_space<hbm>> -> memref<100000x1024xf32, #tpu.memory_space<hbm>>
    %dma_wait3A_86 = tpu.memref_slice %arg7[%dma_wait3A_76] : memref<6x!tpu.dma_semaphore, #tpu.memory_space<semaphore_mem>> -> memref<1x!tpu.dma_semaphore, #tpu.memory_space<semaphore_mem>>
    %dma_wait3A_87 = tpu.memref_squeeze %dma_wait3A_86 : memref<1x!tpu.dma_semaphore, #tpu.memory_space<semaphore_mem>> -> memref<!tpu.dma_semaphore, #tpu.memory_space<semaphore_mem>>
    tpu.wait_indirect_dma semaphore(%dma_wait3A_87 : memref<!tpu.dma_semaphore, #tpu.memory_space<semaphore_mem>>) src(%dma_wait3A_85 : memref<100000x1024xf32, #tpu.memory_space<hbm>>) dst(%dma_wait3A_80 : memref<32x1024xf32, #tpu.memory_space<vmem>>)
    %add3A_88 = arith.constant 0 : i32
    %add3A_89 = arith.addi %mul3A_2, %add3A_88 : i32
    %dma_start3A_90 = arith.constant 0 : i32
    %dma_start3A_91 = arith.constant 0 : i32
    %dma_start3A_92 = arith.constant 0 : i32
    %dma_start3A_93 = arith.constant 0 : i32
    %dma_start3A_94 = tpu.memref_slice %arg6[%dma_start3A_90, %dma_start3A_92, %dma_start3A_93] : memref<3x32x1024xf32, #tpu.memory_space<vmem>> -> memref<1x32x1024xf32, #tpu.memory_space<vmem>>
    %dma_start3A_95 = tpu.memref_squeeze %dma_start3A_94 : memref<1x32x1024xf32, #tpu.memory_space<vmem>> -> memref<32x1024xf32, #tpu.memory_space<vmem>>
    %dma_start3A_96 = arith.constant 0 : i32
    %dma_start3A_97 = tpu.memref_slice %arg4[%add3A_89, %dma_start3A_96] : memref<6144x1024xf32, #tpu.memory_space<hbm>> -> memref<32x1024xf32, #tpu.memory_space<hbm>>
    %dma_start3A_98 = tpu.memref_slice %arg8[%dma_start3A_91] : memref<6x!tpu.dma_semaphore, #tpu.memory_space<semaphore_mem>> -> memref<1x!tpu.dma_semaphore, #tpu.memory_space<semaphore_mem>>
    %dma_start3A_99 = tpu.memref_squeeze %dma_start3A_98 : memref<1x!tpu.dma_semaphore, #tpu.memory_space<semaphore_mem>> -> memref<!tpu.dma_semaphore, #tpu.memory_space<semaphore_mem>>
    %dma_start3A_100 = arith.constant 0 : i32
    %dma_start3A_101 = tpu.memref_slice %arg4[%add3A_89, %dma_start3A_100] : memref<6144x1024xf32, #tpu.memory_space<hbm>> -> memref<32x1024xf32, #tpu.memory_space<hbm>>
    %dma_start3A_102 = arith.constant 0 : i32
    %dma_start3A_103 = arith.constant 0 : i32
    %dma_start3A_104 = tpu.memref_slice %arg6[%dma_start3A_90, %dma_start3A_102, %dma_start3A_103] : memref<3x32x1024xf32, #tpu.memory_space<vmem>> -> memref<1x32x1024xf32, #tpu.memory_space<vmem>>
    %dma_start3A_105 = tpu.memref_squeeze %dma_start3A_104 : memref<1x32x1024xf32, #tpu.memory_space<vmem>> -> memref<32x1024xf32, #tpu.memory_space<vmem>>
    tpu.enqueue_dma source(%dma_start3A_105 : memref<32x1024xf32, #tpu.memory_space<vmem>>) target(%dma_start3A_101 : memref<32x1024xf32, #tpu.memory_space<hbm>>) target_semaphore(%dma_start3A_99 : memref<!tpu.dma_semaphore, #tpu.memory_space<semaphore_mem>>)
    %dma_wait3A_106 = arith.constant 0 : i32
    %dma_wait3A_107 = arith.constant 0 : i32
    %dma_wait3A_108 = arith.constant 0 : i32
    %dma_wait3A_109 = arith.constant 0 : i32
    %dma_wait3A_110 = tpu.memref_slice %arg6[%dma_wait3A_106, %dma_wait3A_108, %dma_wait3A_109] : memref<3x32x1024xf32, #tpu.memory_space<vmem>> -> memref<1x32x1024xf32, #tpu.memory_space<vmem>>
    %dma_wait3A_111 = tpu.memref_squeeze %dma_wait3A_110 : memref<1x32x1024xf32, #tpu.memory_space<vmem>> -> memref<32x1024xf32, #tpu.memory_space<vmem>>
    %dma_wait3A_112 = arith.constant 0 : i32
    %dma_wait3A_113 = tpu.memref_slice %arg4[%add3A_89, %dma_wait3A_112] : memref<6144x1024xf32, #tpu.memory_space<hbm>> -> memref<32x1024xf32, #tpu.memory_space<hbm>>
    %dma_wait3A_114 = tpu.memref_slice %arg8[%dma_wait3A_107] : memref<6x!tpu.dma_semaphore, #tpu.memory_space<semaphore_mem>> -> memref<1x!tpu.dma_semaphore, #tpu.memory_space<semaphore_mem>>
    %dma_wait3A_115 = tpu.memref_squeeze %dma_wait3A_114 : memref<1x!tpu.dma_semaphore, #tpu.memory_space<semaphore_mem>> -> memref<!tpu.dma_semaphore, #tpu.memory_space<semaphore_mem>>
    %dma_wait3A_116 = arith.constant 0 : i32
    %dma_wait3A_117 = tpu.memref_slice %arg4[%add3A_89, %dma_wait3A_116] : memref<6144x1024xf32, #tpu.memory_space<hbm>> -> memref<32x1024xf32, #tpu.memory_space<hbm>>
    %dma_wait3A_118 = arith.constant 0 : i32
    %dma_wait3A_119 = arith.constant 0 : i32
    %dma_wait3A_120 = tpu.memref_slice %arg6[%dma_wait3A_106, %dma_wait3A_118, %dma_wait3A_119] : memref<3x32x1024xf32, #tpu.memory_space<vmem>> -> memref<1x32x1024xf32, #tpu.memory_space<vmem>>
    %dma_wait3A_121 = tpu.memref_squeeze %dma_wait3A_120 : memref<1x32x1024xf32, #tpu.memory_space<vmem>> -> memref<32x1024xf32, #tpu.memory_space<vmem>>
    tpu.wait_dma2 semaphore(%dma_wait3A_115 : memref<!tpu.dma_semaphore, #tpu.memory_space<semaphore_mem>>) src(%dma_wait3A_121 : memref<32x1024xf32, #tpu.memory_space<vmem>>) dst(%dma_wait3A_117 : memref<32x1024xf32, #tpu.memory_space<hbm>>)
    %dma_start3A_122 = arith.constant 0 : i32
    %dma_start3A_123 = arith.constant 3 : i32
    %dma_start3A_124 = arith.constant 0 : i32
    %dma_start3A_125 = arith.constant 0 : i32
    %dma_start3A_126 = tpu.memref_slice %arg6[%dma_start3A_122, %dma_start3A_124, %dma_start3A_125] : memref<3x32x1024xf32, #tpu.memory_space<vmem>> -> memref<1x32x1024xf32, #tpu.memory_space<vmem>>
    %dma_start3A_127 = tpu.memref_squeeze %dma_start3A_126 : memref<1x32x1024xf32, #tpu.memory_space<vmem>> -> memref<32x1024xf32, #tpu.memory_space<vmem>>
    %dma_start3A_128 = arith.constant 96 : i32
    %dma_start3A_129 = tpu.memref_slice %arg5[%dma_start3A_128] : memref<192xi32, #tpu.memory_space<vmem>> -> memref<32xi32, #tpu.memory_space<vmem>>
    %dma_start3A_130 = arith.constant 0 : i32
    %dma_start3A_131 = arith.constant 0 : i32
    %dma_start3A_132 = tpu.memref_slice %arg2[%dma_start3A_130, %dma_start3A_131] : memref<100000x1024xf32, #tpu.memory_space<hbm>> -> memref<100000x1024xf32, #tpu.memory_space<hbm>>
    %dma_start3A_133 = tpu.memref_slice %arg7[%dma_start3A_123] : memref<6x!tpu.dma_semaphore, #tpu.memory_space<semaphore_mem>> -> memref<1x!tpu.dma_semaphore, #tpu.memory_space<semaphore_mem>>
    %dma_start3A_134 = tpu.memref_squeeze %dma_start3A_133 : memref<1x!tpu.dma_semaphore, #tpu.memory_space<semaphore_mem>> -> memref<!tpu.dma_semaphore, #tpu.memory_space<semaphore_mem>>
    tpu.enqueue_indirect_dma source(%dma_start3A_132 : memref<100000x1024xf32, #tpu.memory_space<hbm>>) target(%dma_start3A_127 : memref<32x1024xf32, #tpu.memory_space<vmem>>) offsets(%dma_start3A_129 : memref<32xi32, #tpu.memory_space<vmem>>) semaphore(%dma_start3A_134 : memref<!tpu.dma_semaphore, #tpu.memory_space<semaphore_mem>>)
    %dma_wait3A_135 = arith.constant 1 : i32
    %dma_wait3A_136 = arith.constant 1 : i32
    %dma_wait3A_137 = arith.constant 0 : i32
    %dma_wait3A_138 = arith.constant 0 : i32
    %dma_wait3A_139 = tpu.memref_slice %arg6[%dma_wait3A_135, %dma_wait3A_137, %dma_wait3A_138] : memref<3x32x1024xf32, #tpu.memory_space<vmem>> -> memref<1x32x1024xf32, #tpu.memory_space<vmem>>
    %dma_wait3A_140 = tpu.memref_squeeze %dma_wait3A_139 : memref<1x32x1024xf32, #tpu.memory_space<vmem>> -> memref<32x1024xf32, #tpu.memory_space<vmem>>
    %dma_wait3A_141 = arith.constant 32 : i32
    %dma_wait3A_142 = tpu.memref_slice %arg5[%dma_wait3A_141] : memref<192xi32, #tpu.memory_space<vmem>> -> memref<32xi32, #tpu.memory_space<vmem>>
    %dma_wait3A_143 = arith.constant 0 : i32
    %dma_wait3A_144 = arith.constant 0 : i32
    %dma_wait3A_145 = tpu.memref_slice %arg2[%dma_wait3A_143, %dma_wait3A_144] : memref<100000x1024xf32, #tpu.memory_space<hbm>> -> memref<100000x1024xf32, #tpu.memory_space<hbm>>
    %dma_wait3A_146 = tpu.memref_slice %arg7[%dma_wait3A_136] : memref<6x!tpu.dma_semaphore, #tpu.memory_space<semaphore_mem>> -> memref<1x!tpu.dma_semaphore, #tpu.memory_space<semaphore_mem>>
    %dma_wait3A_147 = tpu.memref_squeeze %dma_wait3A_146 : memref<1x!tpu.dma_semaphore, #tpu.memory_space<semaphore_mem>> -> memref<!tpu.dma_semaphore, #tpu.memory_space<semaphore_mem>>
    tpu.wait_indirect_dma semaphore(%dma_wait3A_147 : memref<!tpu.dma_semaphore, #tpu.memory_space<semaphore_mem>>) src(%dma_wait3A_145 : memref<100000x1024xf32, #tpu.memory_space<hbm>>) dst(%dma_wait3A_140 : memref<32x1024xf32, #tpu.memory_space<vmem>>)
    %add3A_148 = arith.constant 32 : i32
    %add3A_149 = arith.addi %mul3A_2, %add3A_148 : i32
    %dma_start3A_150 = arith.constant 1 : i32
    %dma_start3A_151 = arith.constant 1 : i32
    %dma_start3A_152 = arith.constant 0 : i32
    %dma_start3A_153 = arith.constant 0 : i32
    %dma_start3A_154 = tpu.memref_slice %arg6[%dma_start3A_150, %dma_start3A_152, %dma_start3A_153] : memref<3x32x1024xf32, #tpu.memory_space<vmem>> -> memref<1x32x1024xf32, #tpu.memory_space<vmem>>
    %dma_start3A_155 = tpu.memref_squeeze %dma_start3A_154 : memref<1x32x1024xf32, #tpu.memory_space<vmem>> -> memref<32x1024xf32, #tpu.memory_space<vmem>>
    %dma_start3A_156 = arith.constant 0 : i32
    %dma_start3A_157 = tpu.memref_slice %arg4[%add3A_149, %dma_start3A_156] : memref<6144x1024xf32, #tpu.memory_space<hbm>> -> memref<32x1024xf32, #tpu.memory_space<hbm>>
    %dma_start3A_158 = tpu.memref_slice %arg8[%dma_start3A_151] : memref<6x!tpu.dma_semaphore, #tpu.memory_space<semaphore_mem>> -> memref<1x!tpu.dma_semaphore, #tpu.memory_space<semaphore_mem>>
    %dma_start3A_159 = tpu.memref_squeeze %dma_start3A_158 : memref<1x!tpu.dma_semaphore, #tpu.memory_space<semaphore_mem>> -> memref<!tpu.dma_semaphore, #tpu.memory_space<semaphore_mem>>
    %dma_start3A_160 = arith.constant 0 : i32
    %dma_start3A_161 = tpu.memref_slice %arg4[%add3A_149, %dma_start3A_160] : memref<6144x1024xf32, #tpu.memory_space<hbm>> -> memref<32x1024xf32, #tpu.memory_space<hbm>>
    %dma_start3A_162 = arith.constant 0 : i32
    %dma_start3A_163 = arith.constant 0 : i32
    %dma_start3A_164 = tpu.memref_slice %arg6[%dma_start3A_150, %dma_start3A_162, %dma_start3A_163] : memref<3x32x1024xf32, #tpu.memory_space<vmem>> -> memref<1x32x1024xf32, #tpu.memory_space<vmem>>
    %dma_start3A_165 = tpu.memref_squeeze %dma_start3A_164 : memref<1x32x1024xf32, #tpu.memory_space<vmem>> -> memref<32x1024xf32, #tpu.memory_space<vmem>>
    tpu.enqueue_dma source(%dma_start3A_165 : memref<32x1024xf32, #tpu.memory_space<vmem>>) target(%dma_start3A_161 : memref<32x1024xf32, #tpu.memory_space<hbm>>) target_semaphore(%dma_start3A_159 : memref<!tpu.dma_semaphore, #tpu.memory_space<semaphore_mem>>)
    %dma_wait3A_166 = arith.constant 1 : i32
    %dma_wait3A_167 = arith.constant 1 : i32
    %dma_wait3A_168 = arith.constant 0 : i32
    %dma_wait3A_169 = arith.constant 0 : i32
    %dma_wait3A_170 = tpu.memref_slice %arg6[%dma_wait3A_166, %dma_wait3A_168, %dma_wait3A_169] : memref<3x32x1024xf32, #tpu.memory_space<vmem>> -> memref<1x32x1024xf32, #tpu.memory_space<vmem>>
    %dma_wait3A_171 = tpu.memref_squeeze %dma_wait3A_170 : memref<1x32x1024xf32, #tpu.memory_space<vmem>> -> memref<32x1024xf32, #tpu.memory_space<vmem>>
    %dma_wait3A_172 = arith.constant 0 : i32
    %dma_wait3A_173 = tpu.memref_slice %arg4[%add3A_149, %dma_wait3A_172] : memref<6144x1024xf32, #tpu.memory_space<hbm>> -> memref<32x1024xf32, #tpu.memory_space<hbm>>
    %dma_wait3A_174 = tpu.memref_slice %arg8[%dma_wait3A_167] : memref<6x!tpu.dma_semaphore, #tpu.memory_space<semaphore_mem>> -> memref<1x!tpu.dma_semaphore, #tpu.memory_space<semaphore_mem>>
    %dma_wait3A_175 = tpu.memref_squeeze %dma_wait3A_174 : memref<1x!tpu.dma_semaphore, #tpu.memory_space<semaphore_mem>> -> memref<!tpu.dma_semaphore, #tpu.memory_space<semaphore_mem>>
    %dma_wait3A_176 = arith.constant 0 : i32
    %dma_wait3A_177 = tpu.memref_slice %arg4[%add3A_149, %dma_wait3A_176] : memref<6144x1024xf32, #tpu.memory_space<hbm>> -> memref<32x1024xf32, #tpu.memory_space<hbm>>
    %dma_wait3A_178 = arith.constant 0 : i32
    %dma_wait3A_179 = arith.constant 0 : i32
    %dma_wait3A_180 = tpu.memref_slice %arg6[%dma_wait3A_166, %dma_wait3A_178, %dma_wait3A_179] : memref<3x32x1024xf32, #tpu.memory_space<vmem>> -> memref<1x32x1024xf32, #tpu.memory_space<vmem>>
    %dma_wait3A_181 = tpu.memref_squeeze %dma_wait3A_180 : memref<1x32x1024xf32, #tpu.memory_space<vmem>> -> memref<32x1024xf32, #tpu.memory_space<vmem>>
    tpu.wait_dma2 semaphore(%dma_wait3A_175 : memref<!tpu.dma_semaphore, #tpu.memory_space<semaphore_mem>>) src(%dma_wait3A_181 : memref<32x1024xf32, #tpu.memory_space<vmem>>) dst(%dma_wait3A_177 : memref<32x1024xf32, #tpu.memory_space<hbm>>)
    %dma_start3A_182 = arith.constant 1 : i32
    %dma_start3A_183 = arith.constant 4 : i32
    %dma_start3A_184 = arith.constant 0 : i32
    %dma_start3A_185 = arith.constant 0 : i32
    %dma_start3A_186 = tpu.memref_slice %arg6[%dma_start3A_182, %dma_start3A_184, %dma_start3A_185] : memref<3x32x1024xf32, #tpu.memory_space<vmem>> -> memref<1x32x1024xf32, #tpu.memory_space<vmem>>
    %dma_start3A_187 = tpu.memref_squeeze %dma_start3A_186 : memref<1x32x1024xf32, #tpu.memory_space<vmem>> -> memref<32x1024xf32, #tpu.memory_space<vmem>>
    %dma_start3A_188 = arith.constant 128 : i32
    %dma_start3A_189 = tpu.memref_slice %arg5[%dma_start3A_188] : memref<192xi32, #tpu.memory_space<vmem>> -> memref<32xi32, #tpu.memory_space<vmem>>
    %dma_start3A_190 = arith.constant 0 : i32
    %dma_start3A_191 = arith.constant 0 : i32
    %dma_start3A_192 = tpu.memref_slice %arg2[%dma_start3A_190, %dma_start3A_191] : memref<100000x1024xf32, #tpu.memory_space<hbm>> -> memref<100000x1024xf32, #tpu.memory_space<hbm>>
    %dma_start3A_193 = tpu.memref_slice %arg7[%dma_start3A_183] : memref<6x!tpu.dma_semaphore, #tpu.memory_space<semaphore_mem>> -> memref<1x!tpu.dma_semaphore, #tpu.memory_space<semaphore_mem>>
    %dma_start3A_194 = tpu.memref_squeeze %dma_start3A_193 : memref<1x!tpu.dma_semaphore, #tpu.memory_space<semaphore_mem>> -> memref<!tpu.dma_semaphore, #tpu.memory_space<semaphore_mem>>
    tpu.enqueue_indirect_dma source(%dma_start3A_192 : memref<100000x1024xf32, #tpu.memory_space<hbm>>) target(%dma_start3A_187 : memref<32x1024xf32, #tpu.memory_space<vmem>>) offsets(%dma_start3A_189 : memref<32xi32, #tpu.memory_space<vmem>>) semaphore(%dma_start3A_194 : memref<!tpu.dma_semaphore, #tpu.memory_space<semaphore_mem>>)
    %dma_wait3A_195 = arith.constant 2 : i32
    %dma_wait3A_196 = arith.constant 2 : i32
    %dma_wait3A_197 = arith.constant 0 : i32
    %dma_wait3A_198 = arith.constant 0 : i32
    %dma_wait3A_199 = tpu.memref_slice %arg6[%dma_wait3A_195, %dma_wait3A_197, %dma_wait3A_198] : memref<3x32x1024xf32, #tpu.memory_space<vmem>> -> memref<1x32x1024xf32, #tpu.memory_space<vmem>>
    %dma_wait3A_200 = tpu.memref_squeeze %dma_wait3A_199 : memref<1x32x1024xf32, #tpu.memory_space<vmem>> -> memref<32x1024xf32, #tpu.memory_space<vmem>>
    %dma_wait3A_201 = arith.constant 64 : i32
    %dma_wait3A_202 = tpu.memref_slice %arg5[%dma_wait3A_201] : memref<192xi32, #tpu.memory_space<vmem>> -> memref<32xi32, #tpu.memory_space<vmem>>
    %dma_wait3A_203 = arith.constant 0 : i32
    %dma_wait3A_204 = arith.constant 0 : i32
    %dma_wait3A_205 = tpu.memref_slice %arg2[%dma_wait3A_203, %dma_wait3A_204] : memref<100000x1024xf32, #tpu.memory_space<hbm>> -> memref<100000x1024xf32, #tpu.memory_space<hbm>>
    %dma_wait3A_206 = tpu.memref_slice %arg7[%dma_wait3A_196] : memref<6x!tpu.dma_semaphore, #tpu.memory_space<semaphore_mem>> -> memref<1x!tpu.dma_semaphore, #tpu.memory_space<semaphore_mem>>
    %dma_wait3A_207 = tpu.memref_squeeze %dma_wait3A_206 : memref<1x!tpu.dma_semaphore, #tpu.memory_space<semaphore_mem>> -> memref<!tpu.dma_semaphore, #tpu.memory_space<semaphore_mem>>
    tpu.wait_indirect_dma semaphore(%dma_wait3A_207 : memref<!tpu.dma_semaphore, #tpu.memory_space<semaphore_mem>>) src(%dma_wait3A_205 : memref<100000x1024xf32, #tpu.memory_space<hbm>>) dst(%dma_wait3A_200 : memref<32x1024xf32, #tpu.memory_space<vmem>>)
    %add3A_208 = arith.constant 64 : i32
    %add3A_209 = arith.addi %mul3A_2, %add3A_208 : i32
    %dma_start3A_210 = arith.constant 2 : i32
    %dma_start3A_211 = arith.constant 2 : i32
    %dma_start3A_212 = arith.constant 0 : i32
    %dma_start3A_213 = arith.constant 0 : i32
    %dma_start3A_214 = tpu.memref_slice %arg6[%dma_start3A_210, %dma_start3A_212, %dma_start3A_213] : memref<3x32x1024xf32, #tpu.memory_space<vmem>> -> memref<1x32x1024xf32, #tpu.memory_space<vmem>>
    %dma_start3A_215 = tpu.memref_squeeze %dma_start3A_214 : memref<1x32x1024xf32, #tpu.memory_space<vmem>> -> memref<32x1024xf32, #tpu.memory_space<vmem>>
    %dma_start3A_216 = arith.constant 0 : i32
    %dma_start3A_217 = tpu.memref_slice %arg4[%add3A_209, %dma_start3A_216] : memref<6144x1024xf32, #tpu.memory_space<hbm>> -> memref<32x1024xf32, #tpu.memory_space<hbm>>
    %dma_start3A_218 = tpu.memref_slice %arg8[%dma_start3A_211] : memref<6x!tpu.dma_semaphore, #tpu.memory_space<semaphore_mem>> -> memref<1x!tpu.dma_semaphore, #tpu.memory_space<semaphore_mem>>
    %dma_start3A_219 = tpu.memref_squeeze %dma_start3A_218 : memref<1x!tpu.dma_semaphore, #tpu.memory_space<semaphore_mem>> -> memref<!tpu.dma_semaphore, #tpu.memory_space<semaphore_mem>>
    %dma_start3A_220 = arith.constant 0 : i32
    %dma_start3A_221 = tpu.memref_slice %arg4[%add3A_209, %dma_start3A_220] : memref<6144x1024xf32, #tpu.memory_space<hbm>> -> memref<32x1024xf32, #tpu.memory_space<hbm>>
    %dma_start3A_222 = arith.constant 0 : i32
    %dma_start3A_223 = arith.constant 0 : i32
    %dma_start3A_224 = tpu.memref_slice %arg6[%dma_start3A_210, %dma_start3A_222, %dma_start3A_223] : memref<3x32x1024xf32, #tpu.memory_space<vmem>> -> memref<1x32x1024xf32, #tpu.memory_space<vmem>>
    %dma_start3A_225 = tpu.memref_squeeze %dma_start3A_224 : memref<1x32x1024xf32, #tpu.memory_space<vmem>> -> memref<32x1024xf32, #tpu.memory_space<vmem>>
    tpu.enqueue_dma source(%dma_start3A_225 : memref<32x1024xf32, #tpu.memory_space<vmem>>) target(%dma_start3A_221 : memref<32x1024xf32, #tpu.memory_space<hbm>>) target_semaphore(%dma_start3A_219 : memref<!tpu.dma_semaphore, #tpu.memory_space<semaphore_mem>>)
    %dma_wait3A_226 = arith.constant 2 : i32
    %dma_wait3A_227 = arith.constant 2 : i32
    %dma_wait3A_228 = arith.constant 0 : i32
    %dma_wait3A_229 = arith.constant 0 : i32
    %dma_wait3A_230 = tpu.memref_slice %arg6[%dma_wait3A_226, %dma_wait3A_228, %dma_wait3A_229] : memref<3x32x1024xf32, #tpu.memory_space<vmem>> -> memref<1x32x1024xf32, #tpu.memory_space<vmem>>
    %dma_wait3A_231 = tpu.memref_squeeze %dma_wait3A_230 : memref<1x32x1024xf32, #tpu.memory_space<vmem>> -> memref<32x1024xf32, #tpu.memory_space<vmem>>
    %dma_wait3A_232 = arith.constant 0 : i32
    %dma_wait3A_233 = tpu.memref_slice %arg4[%add3A_209, %dma_wait3A_232] : memref<6144x1024xf32, #tpu.memory_space<hbm>> -> memref<32x1024xf32, #tpu.memory_space<hbm>>
    %dma_wait3A_234 = tpu.memref_slice %arg8[%dma_wait3A_227] : memref<6x!tpu.dma_semaphore, #tpu.memory_space<semaphore_mem>> -> memref<1x!tpu.dma_semaphore, #tpu.memory_space<semaphore_mem>>
    %dma_wait3A_235 = tpu.memref_squeeze %dma_wait3A_234 : memref<1x!tpu.dma_semaphore, #tpu.memory_space<semaphore_mem>> -> memref<!tpu.dma_semaphore, #tpu.memory_space<semaphore_mem>>
    %dma_wait3A_236 = arith.constant 0 : i32
    %dma_wait3A_237 = tpu.memref_slice %arg4[%add3A_209, %dma_wait3A_236] : memref<6144x1024xf32, #tpu.memory_space<hbm>> -> memref<32x1024xf32, #tpu.memory_space<hbm>>
    %dma_wait3A_238 = arith.constant 0 : i32
    %dma_wait3A_239 = arith.constant 0 : i32
    %dma_wait3A_240 = tpu.memref_slice %arg6[%dma_wait3A_226, %dma_wait3A_238, %dma_wait3A_239] : memref<3x32x1024xf32, #tpu.memory_space<vmem>> -> memref<1x32x1024xf32, #tpu.memory_space<vmem>>
    %dma_wait3A_241 = tpu.memref_squeeze %dma_wait3A_240 : memref<1x32x1024xf32, #tpu.memory_space<vmem>> -> memref<32x1024xf32, #tpu.memory_space<vmem>>
    tpu.wait_dma2 semaphore(%dma_wait3A_235 : memref<!tpu.dma_semaphore, #tpu.memory_space<semaphore_mem>>) src(%dma_wait3A_241 : memref<32x1024xf32, #tpu.memory_space<vmem>>) dst(%dma_wait3A_237 : memref<32x1024xf32, #tpu.memory_space<hbm>>)
    %dma_start3A_242 = arith.constant 2 : i32
    %dma_start3A_243 = arith.constant 5 : i32
    %dma_start3A_244 = arith.constant 0 : i32
    %dma_start3A_245 = arith.constant 0 : i32
    %dma_start3A_246 = tpu.memref_slice %arg6[%dma_start3A_242, %dma_start3A_244, %dma_start3A_245] : memref<3x32x1024xf32, #tpu.memory_space<vmem>> -> memref<1x32x1024xf32, #tpu.memory_space<vmem>>
    %dma_start3A_247 = tpu.memref_squeeze %dma_start3A_246 : memref<1x32x1024xf32, #tpu.memory_space<vmem>> -> memref<32x1024xf32, #tpu.memory_space<vmem>>
    %dma_start3A_248 = arith.constant 160 : i32
    %dma_start3A_249 = tpu.memref_slice %arg5[%dma_start3A_248] : memref<192xi32, #tpu.memory_space<vmem>> -> memref<32xi32, #tpu.memory_space<vmem>>
    %dma_start3A_250 = arith.constant 0 : i32
    %dma_start3A_251 = arith.constant 0 : i32
    %dma_start3A_252 = tpu.memref_slice %arg2[%dma_start3A_250, %dma_start3A_251] : memref<100000x1024xf32, #tpu.memory_space<hbm>> -> memref<100000x1024xf32, #tpu.memory_space<hbm>>
    %dma_start3A_253 = tpu.memref_slice %arg7[%dma_start3A_243] : memref<6x!tpu.dma_semaphore, #tpu.memory_space<semaphore_mem>> -> memref<1x!tpu.dma_semaphore, #tpu.memory_space<semaphore_mem>>
    %dma_start3A_254 = tpu.memref_squeeze %dma_start3A_253 : memref<1x!tpu.dma_semaphore, #tpu.memory_space<semaphore_mem>> -> memref<!tpu.dma_semaphore, #tpu.memory_space<semaphore_mem>>
    tpu.enqueue_indirect_dma source(%dma_start3A_252 : memref<100000x1024xf32, #tpu.memory_space<hbm>>) target(%dma_start3A_247 : memref<32x1024xf32, #tpu.memory_space<vmem>>) offsets(%dma_start3A_249 : memref<32xi32, #tpu.memory_space<vmem>>) semaphore(%dma_start3A_254 : memref<!tpu.dma_semaphore, #tpu.memory_space<semaphore_mem>>)
    %dma_wait3A_255 = arith.constant 0 : i32
    %dma_wait3A_256 = arith.constant 3 : i32
    %dma_wait3A_257 = arith.constant 0 : i32
    %dma_wait3A_258 = arith.constant 0 : i32
    %dma_wait3A_259 = tpu.memref_slice %arg6[%dma_wait3A_255, %dma_wait3A_257, %dma_wait3A_258] : memref<3x32x1024xf32, #tpu.memory_space<vmem>> -> memref<1x32x1024xf32, #tpu.memory_space<vmem>>
    %dma_wait3A_260 = tpu.memref_squeeze %dma_wait3A_259 : memref<1x32x1024xf32, #tpu.memory_space<vmem>> -> memref<32x1024xf32, #tpu.memory_space<vmem>>
    %dma_wait3A_261 = arith.constant 96 : i32
    %dma_wait3A_262 = tpu.memref_slice %arg5[%dma_wait3A_261] : memref<192xi32, #tpu.memory_space<vmem>> -> memref<32xi32, #tpu.memory_space<vmem>>
    %dma_wait3A_263 = arith.constant 0 : i32
    %dma_wait3A_264 = arith.constant 0 : i32
    %dma_wait3A_265 = tpu.memref_slice %arg2[%dma_wait3A_263, %dma_wait3A_264] : memref<100000x1024xf32, #tpu.memory_space<hbm>> -> memref<100000x1024xf32, #tpu.memory_space<hbm>>
    %dma_wait3A_266 = tpu.memref_slice %arg7[%dma_wait3A_256] : memref<6x!tpu.dma_semaphore, #tpu.memory_space<semaphore_mem>> -> memref<1x!tpu.dma_semaphore, #tpu.memory_space<semaphore_mem>>
    %dma_wait3A_267 = tpu.memref_squeeze %dma_wait3A_266 : memref<1x!tpu.dma_semaphore, #tpu.memory_space<semaphore_mem>> -> memref<!tpu.dma_semaphore, #tpu.memory_space<semaphore_mem>>
    tpu.wait_indirect_dma semaphore(%dma_wait3A_267 : memref<!tpu.dma_semaphore, #tpu.memory_space<semaphore_mem>>) src(%dma_wait3A_265 : memref<100000x1024xf32, #tpu.memory_space<hbm>>) dst(%dma_wait3A_260 : memref<32x1024xf32, #tpu.memory_space<vmem>>)
    %add3A_268 = arith.constant 96 : i32
    %add3A_269 = arith.addi %mul3A_2, %add3A_268 : i32
    %dma_start3A_270 = arith.constant 0 : i32
    %dma_start3A_271 = arith.constant 3 : i32
    %dma_start3A_272 = arith.constant 0 : i32
    %dma_start3A_273 = arith.constant 0 : i32
    %dma_start3A_274 = tpu.memref_slice %arg6[%dma_start3A_270, %dma_start3A_272, %dma_start3A_273] : memref<3x32x1024xf32, #tpu.memory_space<vmem>> -> memref<1x32x1024xf32, #tpu.memory_space<vmem>>
    %dma_start3A_275 = tpu.memref_squeeze %dma_start3A_274 : memref<1x32x1024xf32, #tpu.memory_space<vmem>> -> memref<32x1024xf32, #tpu.memory_space<vmem>>
    %dma_start3A_276 = arith.constant 0 : i32
    %dma_start3A_277 = tpu.memref_slice %arg4[%add3A_269, %dma_start3A_276] : memref<6144x1024xf32, #tpu.memory_space<hbm>> -> memref<32x1024xf32, #tpu.memory_space<hbm>>
    %dma_start3A_278 = tpu.memref_slice %arg8[%dma_start3A_271] : memref<6x!tpu.dma_semaphore, #tpu.memory_space<semaphore_mem>> -> memref<1x!tpu.dma_semaphore, #tpu.memory_space<semaphore_mem>>
    %dma_start3A_279 = tpu.memref_squeeze %dma_start3A_278 : memref<1x!tpu.dma_semaphore, #tpu.memory_space<semaphore_mem>> -> memref<!tpu.dma_semaphore, #tpu.memory_space<semaphore_mem>>
    %dma_start3A_280 = arith.constant 0 : i32
    %dma_start3A_281 = tpu.memref_slice %arg4[%add3A_269, %dma_start3A_280] : memref<6144x1024xf32, #tpu.memory_space<hbm>> -> memref<32x1024xf32, #tpu.memory_space<hbm>>
    %dma_start3A_282 = arith.constant 0 : i32
    %dma_start3A_283 = arith.constant 0 : i32
    %dma_start3A_284 = tpu.memref_slice %arg6[%dma_start3A_270, %dma_start3A_282, %dma_start3A_283] : memref<3x32x1024xf32, #tpu.memory_space<vmem>> -> memref<1x32x1024xf32, #tpu.memory_space<vmem>>
    %dma_start3A_285 = tpu.memref_squeeze %dma_start3A_284 : memref<1x32x1024xf32, #tpu.memory_space<vmem>> -> memref<32x1024xf32, #tpu.memory_space<vmem>>
    tpu.enqueue_dma source(%dma_start3A_285 : memref<32x1024xf32, #tpu.memory_space<vmem>>) target(%dma_start3A_281 : memref<32x1024xf32, #tpu.memory_space<hbm>>) target_semaphore(%dma_start3A_279 : memref<!tpu.dma_semaphore, #tpu.memory_space<semaphore_mem>>)
    %dma_wait3A_286 = arith.constant 1 : i32
    %dma_wait3A_287 = arith.constant 4 : i32
    %dma_wait3A_288 = arith.constant 0 : i32
    %dma_wait3A_289 = arith.constant 0 : i32
    %dma_wait3A_290 = tpu.memref_slice %arg6[%dma_wait3A_286, %dma_wait3A_288, %dma_wait3A_289] : memref<3x32x1024xf32, #tpu.memory_space<vmem>> -> memref<1x32x1024xf32, #tpu.memory_space<vmem>>
    %dma_wait3A_291 = tpu.memref_squeeze %dma_wait3A_290 : memref<1x32x1024xf32, #tpu.memory_space<vmem>> -> memref<32x1024xf32, #tpu.memory_space<vmem>>
    %dma_wait3A_292 = arith.constant 128 : i32
    %dma_wait3A_293 = tpu.memref_slice %arg5[%dma_wait3A_292] : memref<192xi32, #tpu.memory_space<vmem>> -> memref<32xi32, #tpu.memory_space<vmem>>
    %dma_wait3A_294 = arith.constant 0 : i32
    %dma_wait3A_295 = arith.constant 0 : i32
    %dma_wait3A_296 = tpu.memref_slice %arg2[%dma_wait3A_294, %dma_wait3A_295] : memref<100000x1024xf32, #tpu.memory_space<hbm>> -> memref<100000x1024xf32, #tpu.memory_space<hbm>>
    %dma_wait3A_297 = tpu.memref_slice %arg7[%dma_wait3A_287] : memref<6x!tpu.dma_semaphore, #tpu.memory_space<semaphore_mem>> -> memref<1x!tpu.dma_semaphore, #tpu.memory_space<semaphore_mem>>
    %dma_wait3A_298 = tpu.memref_squeeze %dma_wait3A_297 : memref<1x!tpu.dma_semaphore, #tpu.memory_space<semaphore_mem>> -> memref<!tpu.dma_semaphore, #tpu.memory_space<semaphore_mem>>
    tpu.wait_indirect_dma semaphore(%dma_wait3A_298 : memref<!tpu.dma_semaphore, #tpu.memory_space<semaphore_mem>>) src(%dma_wait3A_296 : memref<100000x1024xf32, #tpu.memory_space<hbm>>) dst(%dma_wait3A_291 : memref<32x1024xf32, #tpu.memory_space<vmem>>)
    %add3A_299 = arith.constant 128 : i32
    %add3A_300 = arith.addi %mul3A_2, %add3A_299 : i32
    %dma_start3A_301 = arith.constant 1 : i32
    %dma_start3A_302 = arith.constant 4 : i32
    %dma_start3A_303 = arith.constant 0 : i32
    %dma_start3A_304 = arith.constant 0 : i32
    %dma_start3A_305 = tpu.memref_slice %arg6[%dma_start3A_301, %dma_start3A_303, %dma_start3A_304] : memref<3x32x1024xf32, #tpu.memory_space<vmem>> -> memref<1x32x1024xf32, #tpu.memory_space<vmem>>
    %dma_start3A_306 = tpu.memref_squeeze %dma_start3A_305 : memref<1x32x1024xf32, #tpu.memory_space<vmem>> -> memref<32x1024xf32, #tpu.memory_space<vmem>>
    %dma_start3A_307 = arith.constant 0 : i32
    %dma_start3A_308 = tpu.memref_slice %arg4[%add3A_300, %dma_start3A_307] : memref<6144x1024xf32, #tpu.memory_space<hbm>> -> memref<32x1024xf32, #tpu.memory_space<hbm>>
    %dma_start3A_309 = tpu.memref_slice %arg8[%dma_start3A_302] : memref<6x!tpu.dma_semaphore, #tpu.memory_space<semaphore_mem>> -> memref<1x!tpu.dma_semaphore, #tpu.memory_space<semaphore_mem>>
    %dma_start3A_310 = tpu.memref_squeeze %dma_start3A_309 : memref<1x!tpu.dma_semaphore, #tpu.memory_space<semaphore_mem>> -> memref<!tpu.dma_semaphore, #tpu.memory_space<semaphore_mem>>
    %dma_start3A_311 = arith.constant 0 : i32
    %dma_start3A_312 = tpu.memref_slice %arg4[%add3A_300, %dma_start3A_311] : memref<6144x1024xf32, #tpu.memory_space<hbm>> -> memref<32x1024xf32, #tpu.memory_space<hbm>>
    %dma_start3A_313 = arith.constant 0 : i32
    %dma_start3A_314 = arith.constant 0 : i32
    %dma_start3A_315 = tpu.memref_slice %arg6[%dma_start3A_301, %dma_start3A_313, %dma_start3A_314] : memref<3x32x1024xf32, #tpu.memory_space<vmem>> -> memref<1x32x1024xf32, #tpu.memory_space<vmem>>
    %dma_start3A_316 = tpu.memref_squeeze %dma_start3A_315 : memref<1x32x1024xf32, #tpu.memory_space<vmem>> -> memref<32x1024xf32, #tpu.memory_space<vmem>>
    tpu.enqueue_dma source(%dma_start3A_316 : memref<32x1024xf32, #tpu.memory_space<vmem>>) target(%dma_start3A_312 : memref<32x1024xf32, #tpu.memory_space<hbm>>) target_semaphore(%dma_start3A_310 : memref<!tpu.dma_semaphore, #tpu.memory_space<semaphore_mem>>)
    %dma_wait3A_317 = arith.constant 2 : i32
    %dma_wait3A_318 = arith.constant 5 : i32
    %dma_wait3A_319 = arith.constant 0 : i32
    %dma_wait3A_320 = arith.constant 0 : i32
    %dma_wait3A_321 = tpu.memref_slice %arg6[%dma_wait3A_317, %dma_wait3A_319, %dma_wait3A_320] : memref<3x32x1024xf32, #tpu.memory_space<vmem>> -> memref<1x32x1024xf32, #tpu.memory_space<vmem>>
    %dma_wait3A_322 = tpu.memref_squeeze %dma_wait3A_321 : memref<1x32x1024xf32, #tpu.memory_space<vmem>> -> memref<32x1024xf32, #tpu.memory_space<vmem>>
    %dma_wait3A_323 = arith.constant 160 : i32
    %dma_wait3A_324 = tpu.memref_slice %arg5[%dma_wait3A_323] : memref<192xi32, #tpu.memory_space<vmem>> -> memref<32xi32, #tpu.memory_space<vmem>>
    %dma_wait3A_325 = arith.constant 0 : i32
    %dma_wait3A_326 = arith.constant 0 : i32
    %dma_wait3A_327 = tpu.memref_slice %arg2[%dma_wait3A_325, %dma_wait3A_326] : memref<100000x1024xf32, #tpu.memory_space<hbm>> -> memref<100000x1024xf32, #tpu.memory_space<hbm>>
    %dma_wait3A_328 = tpu.memref_slice %arg7[%dma_wait3A_318] : memref<6x!tpu.dma_semaphore, #tpu.memory_space<semaphore_mem>> -> memref<1x!tpu.dma_semaphore, #tpu.memory_space<semaphore_mem>>
    %dma_wait3A_329 = tpu.memref_squeeze %dma_wait3A_328 : memref<1x!tpu.dma_semaphore, #tpu.memory_space<semaphore_mem>> -> memref<!tpu.dma_semaphore, #tpu.memory_space<semaphore_mem>>
    tpu.wait_indirect_dma semaphore(%dma_wait3A_329 : memref<!tpu.dma_semaphore, #tpu.memory_space<semaphore_mem>>) src(%dma_wait3A_327 : memref<100000x1024xf32, #tpu.memory_space<hbm>>) dst(%dma_wait3A_322 : memref<32x1024xf32, #tpu.memory_space<vmem>>)
    %add3A_330 = arith.constant 160 : i32
    %add3A_331 = arith.addi %mul3A_2, %add3A_330 : i32
    %dma_start3A_332 = arith.constant 2 : i32
    %dma_start3A_333 = arith.constant 5 : i32
    %dma_start3A_334 = arith.constant 0 : i32
    %dma_start3A_335 = arith.constant 0 : i32
    %dma_start3A_336 = tpu.memref_slice %arg6[%dma_start3A_332, %dma_start3A_334, %dma_start3A_335] : memref<3x32x1024xf32, #tpu.memory_space<vmem>> -> memref<1x32x1024xf32, #tpu.memory_space<vmem>>
    %dma_start3A_337 = tpu.memref_squeeze %dma_start3A_336 : memref<1x32x1024xf32, #tpu.memory_space<vmem>> -> memref<32x1024xf32, #tpu.memory_space<vmem>>
    %dma_start3A_338 = arith.constant 0 : i32
    %dma_start3A_339 = tpu.memref_slice %arg4[%add3A_331, %dma_start3A_338] : memref<6144x1024xf32, #tpu.memory_space<hbm>> -> memref<32x1024xf32, #tpu.memory_space<hbm>>
    %dma_start3A_340 = tpu.memref_slice %arg8[%dma_start3A_333] : memref<6x!tpu.dma_semaphore, #tpu.memory_space<semaphore_mem>> -> memref<1x!tpu.dma_semaphore, #tpu.memory_space<semaphore_mem>>
    %dma_start3A_341 = tpu.memref_squeeze %dma_start3A_340 : memref<1x!tpu.dma_semaphore, #tpu.memory_space<semaphore_mem>> -> memref<!tpu.dma_semaphore, #tpu.memory_space<semaphore_mem>>
    %dma_start3A_342 = arith.constant 0 : i32
    %dma_start3A_343 = tpu.memref_slice %arg4[%add3A_331, %dma_start3A_342] : memref<6144x1024xf32, #tpu.memory_space<hbm>> -> memref<32x1024xf32, #tpu.memory_space<hbm>>
    %dma_start3A_344 = arith.constant 0 : i32
    %dma_start3A_345 = arith.constant 0 : i32
    %dma_start3A_346 = tpu.memref_slice %arg6[%dma_start3A_332, %dma_start3A_344, %dma_start3A_345] : memref<3x32x1024xf32, #tpu.memory_space<vmem>> -> memref<1x32x1024xf32, #tpu.memory_space<vmem>>
    %dma_start3A_347 = tpu.memref_squeeze %dma_start3A_346 : memref<1x32x1024xf32, #tpu.memory_space<vmem>> -> memref<32x1024xf32, #tpu.memory_space<vmem>>
    tpu.enqueue_dma source(%dma_start3A_347 : memref<32x1024xf32, #tpu.memory_space<vmem>>) target(%dma_start3A_343 : memref<32x1024xf32, #tpu.memory_space<hbm>>) target_semaphore(%dma_start3A_341 : memref<!tpu.dma_semaphore, #tpu.memory_space<semaphore_mem>>)
    %dma_wait3A_348 = arith.constant 0 : i32
    %dma_wait3A_349 = arith.constant 3 : i32
    %dma_wait3A_350 = arith.constant 0 : i32
    %dma_wait3A_351 = arith.constant 0 : i32
    %dma_wait3A_352 = tpu.memref_slice %arg6[%dma_wait3A_348, %dma_wait3A_350, %dma_wait3A_351] : memref<3x32x1024xf32, #tpu.memory_space<vmem>> -> memref<1x32x1024xf32, #tpu.memory_space<vmem>>
    %dma_wait3A_353 = tpu.memref_squeeze %dma_wait3A_352 : memref<1x32x1024xf32, #tpu.memory_space<vmem>> -> memref<32x1024xf32, #tpu.memory_space<vmem>>
    %dma_wait3A_354 = arith.constant 0 : i32
    %dma_wait3A_355 = tpu.memref_slice %arg4[%add3A_269, %dma_wait3A_354] : memref<6144x1024xf32, #tpu.memory_space<hbm>> -> memref<32x1024xf32, #tpu.memory_space<hbm>>
    %dma_wait3A_356 = tpu.memref_slice %arg8[%dma_wait3A_349] : memref<6x!tpu.dma_semaphore, #tpu.memory_space<semaphore_mem>> -> memref<1x!tpu.dma_semaphore, #tpu.memory_space<semaphore_mem>>
    %dma_wait3A_357 = tpu.memref_squeeze %dma_wait3A_356 : memref<1x!tpu.dma_semaphore, #tpu.memory_space<semaphore_mem>> -> memref<!tpu.dma_semaphore, #tpu.memory_space<semaphore_mem>>
    %dma_wait3A_358 = arith.constant 0 : i32
    %dma_wait3A_359 = tpu.memref_slice %arg4[%add3A_269, %dma_wait3A_358] : memref<6144x1024xf32, #tpu.memory_space<hbm>> -> memref<32x1024xf32, #tpu.memory_space<hbm>>
    %dma_wait3A_360 = arith.constant 0 : i32
    %dma_wait3A_361 = arith.constant 0 : i32
    %dma_wait3A_362 = tpu.memref_slice %arg6[%dma_wait3A_348, %dma_wait3A_360, %dma_wait3A_361] : memref<3x32x1024xf32, #tpu.memory_space<vmem>> -> memref<1x32x1024xf32, #tpu.memory_space<vmem>>
    %dma_wait3A_363 = tpu.memref_squeeze %dma_wait3A_362 : memref<1x32x1024xf32, #tpu.memory_space<vmem>> -> memref<32x1024xf32, #tpu.memory_space<vmem>>
    tpu.wait_dma2 semaphore(%dma_wait3A_357 : memref<!tpu.dma_semaphore, #tpu.memory_space<semaphore_mem>>) src(%dma_wait3A_363 : memref<32x1024xf32, #tpu.memory_space<vmem>>) dst(%dma_wait3A_359 : memref<32x1024xf32, #tpu.memory_space<hbm>>)
    %dma_wait3A_364 = arith.constant 1 : i32
    %dma_wait3A_365 = arith.constant 4 : i32
    %dma_wait3A_366 = arith.constant 0 : i32
    %dma_wait3A_367 = arith.constant 0 : i32
    %dma_wait3A_368 = tpu.memref_slice %arg6[%dma_wait3A_364, %dma_wait3A_366, %dma_wait3A_367] : memref<3x32x1024xf32, #tpu.memory_space<vmem>> -> memref<1x32x1024xf32, #tpu.memory_space<vmem>>
    %dma_wait3A_369 = tpu.memref_squeeze %dma_wait3A_368 : memref<1x32x1024xf32, #tpu.memory_space<vmem>> -> memref<32x1024xf32, #tpu.memory_space<vmem>>
    %dma_wait3A_370 = arith.constant 0 : i32
    %dma_wait3A_371 = tpu.memref_slice %arg4[%add3A_300, %dma_wait3A_370] : memref<6144x1024xf32, #tpu.memory_space<hbm>> -> memref<32x1024xf32, #tpu.memory_space<hbm>>
    %dma_wait3A_372 = tpu.memref_slice %arg8[%dma_wait3A_365] : memref<6x!tpu.dma_semaphore, #tpu.memory_space<semaphore_mem>> -> memref<1x!tpu.dma_semaphore, #tpu.memory_space<semaphore_mem>>
    %dma_wait3A_373 = tpu.memref_squeeze %dma_wait3A_372 : memref<1x!tpu.dma_semaphore, #tpu.memory_space<semaphore_mem>> -> memref<!tpu.dma_semaphore, #tpu.memory_space<semaphore_mem>>
    %dma_wait3A_374 = arith.constant 0 : i32
    %dma_wait3A_375 = tpu.memref_slice %arg4[%add3A_300, %dma_wait3A_374] : memref<6144x1024xf32, #tpu.memory_space<hbm>> -> memref<32x1024xf32, #tpu.memory_space<hbm>>
    %dma_wait3A_376 = arith.constant 0 : i32
    %dma_wait3A_377 = arith.constant 0 : i32
    %dma_wait3A_378 = tpu.memref_slice %arg6[%dma_wait3A_364, %dma_wait3A_376, %dma_wait3A_377] : memref<3x32x1024xf32, #tpu.memory_space<vmem>> -> memref<1x32x1024xf32, #tpu.memory_space<vmem>>
    %dma_wait3A_379 = tpu.memref_squeeze %dma_wait3A_378 : memref<1x32x1024xf32, #tpu.memory_space<vmem>> -> memref<32x1024xf32, #tpu.memory_space<vmem>>
    tpu.wait_dma2 semaphore(%dma_wait3A_373 : memref<!tpu.dma_semaphore, #tpu.memory_space<semaphore_mem>>) src(%dma_wait3A_379 : memref<32x1024xf32, #tpu.memory_space<vmem>>) dst(%dma_wait3A_375 : memref<32x1024xf32, #tpu.memory_space<hbm>>)
    %dma_wait3A_380 = arith.constant 2 : i32
    %dma_wait3A_381 = arith.constant 5 : i32
    %dma_wait3A_382 = arith.constant 0 : i32
    %dma_wait3A_383 = arith.constant 0 : i32
    %dma_wait3A_384 = tpu.memref_slice %arg6[%dma_wait3A_380, %dma_wait3A_382, %dma_wait3A_383] : memref<3x32x1024xf32, #tpu.memory_space<vmem>> -> memref<1x32x1024xf32, #tpu.memory_space<vmem>>
    %dma_wait3A_385 = tpu.memref_squeeze %dma_wait3A_384 : memref<1x32x1024xf32, #tpu.memory_space<vmem>> -> memref<32x1024xf32, #tpu.memory_space<vmem>>
    %dma_wait3A_386 = arith.constant 0 : i32
    %dma_wait3A_387 = tpu.memref_slice %arg4[%add3A_331, %dma_wait3A_386] : memref<6144x1024xf32, #tpu.memory_space<hbm>> -> memref<32x1024xf32, #tpu.memory_space<hbm>>
    %dma_wait3A_388 = tpu.memref_slice %arg8[%dma_wait3A_381] : memref<6x!tpu.dma_semaphore, #tpu.memory_space<semaphore_mem>> -> memref<1x!tpu.dma_semaphore, #tpu.memory_space<semaphore_mem>>
    %dma_wait3A_389 = tpu.memref_squeeze %dma_wait3A_388 : memref<1x!tpu.dma_semaphore, #tpu.memory_space<semaphore_mem>> -> memref<!tpu.dma_semaphore, #tpu.memory_space<semaphore_mem>>
    %dma_wait3A_390 = arith.constant 0 : i32
    %dma_wait3A_391 = tpu.memref_slice %arg4[%add3A_331, %dma_wait3A_390] : memref<6144x1024xf32, #tpu.memory_space<hbm>> -> memref<32x1024xf32, #tpu.memory_space<hbm>>
    %dma_wait3A_392 = arith.constant 0 : i32
    %dma_wait3A_393 = arith.constant 0 : i32
    %dma_wait3A_394 = tpu.memref_slice %arg6[%dma_wait3A_380, %dma_wait3A_392, %dma_wait3A_393] : memref<3x32x1024xf32, #tpu.memory_space<vmem>> -> memref<1x32x1024xf32, #tpu.memory_space<vmem>>
    %dma_wait3A_395 = tpu.memref_squeeze %dma_wait3A_394 : memref<1x32x1024xf32, #tpu.memory_space<vmem>> -> memref<32x1024xf32, #tpu.memory_space<vmem>>
    tpu.wait_dma2 semaphore(%dma_wait3A_389 : memref<!tpu.dma_semaphore, #tpu.memory_space<semaphore_mem>>) src(%dma_wait3A_395 : memref<32x1024xf32, #tpu.memory_space<vmem>>) dst(%dma_wait3A_391 : memref<32x1024xf32, #tpu.memory_space<hbm>>)
    return
  }
}

#map = affine_map<(d0, d1) -> (0, 0)>
#map1 = affine_map<(d0, d1) -> (0)>
module attributes {stable_mosaic.version = 14 : i64} {
  func.func @k(%arg0: i32, %arg1: i32, %arg2: memref<100000x1024xf32, #tpu.memory_space<hbm>>, %arg3: memref<8192xi32, #tpu.memory_space<hbm>>, %arg4: memref<2048x1024xf32, #tpu.memory_space<hbm>>, %arg5: memref<64xi32, #tpu.memory_space<vmem>>, %arg6: memref<2x32x1024xf32, #tpu.memory_space<vmem>>, %arg7: memref<2x!tpu.dma_semaphore, #tpu.memory_space<semaphore_mem>>, %arg8: memref<2x!tpu.dma_semaphore, #tpu.memory_space<semaphore_mem>>) attributes {dimension_semantics = [#tpu.dimension_semantics<core_parallel>, #tpu.dimension_semantics<subcore_parallel>], iteration_bounds = array<i64: 2, 16>, scalar_prefetch = 0 : i64, scratch_operands = 4 : i64, tpu.core_type = #tpu.core_type<sc_vector_subcore>, window_params = [{transform_indices = #map}, {transform_indices = #map1}, {transform_indices = #map}]} {
    %mul3A = arith.constant 2 : i32
    %mul3A_0 = arith.muli %arg1, %mul3A : i32
    %add3A = arith.addi %mul3A_0, %arg0 : i32
    %mul3A_1 = arith.constant 64 : i32
    %mul3A_2 = arith.muli %add3A, %mul3A_1 : i32
    %jit3A = arith.constant 512 : i32
    %div3A = arith.divsi %mul3A_2, %jit3A : i32
    %sign3A = arith.constant 0 : i32
    %sign3A_3 = arith.cmpi sgt, %mul3A_2, %sign3A : i32
    %sign3A_4 = arith.extui %sign3A_3 : i1 to i32
    %sign3A_5 = arith.constant 0 : i32
    %sign3A_6 = arith.cmpi slt, %mul3A_2, %sign3A_5 : i32
    %sign3A_7 = arith.extui %sign3A_6 : i1 to i32
    %sign3A_8 = arith.subi %sign3A_4, %sign3A_7 : i32
    %sign3A_9 = arith.constant 0 : i32
    %sign3A_10 = arith.cmpi sgt, %jit3A, %sign3A_9 : i32
    %sign3A_11 = arith.extui %sign3A_10 : i1 to i32
    %sign3A_12 = arith.constant 0 : i32
    %sign3A_13 = arith.cmpi slt, %jit3A, %sign3A_12 : i32
    %sign3A_14 = arith.extui %sign3A_13 : i1 to i32
    %sign3A_15 = arith.subi %sign3A_11, %sign3A_14 : i32
    %ne3A = arith.cmpi ne, %sign3A_8, %sign3A_15 : i32
    %rem3A = arith.remsi %mul3A_2, %jit3A : i32
    %ne3A_16 = arith.constant 0 : i32
    %ne3A_17 = arith.cmpi ne, %rem3A, %ne3A_16 : i32
    %and3A = arith.andi %ne3A, %ne3A_17 : i1
    %sub3A = arith.constant 1 : i32
    %sub3A_18 = arith.subi %div3A, %sub3A : i32
    %select_n3A = arith.select %and3A, %sub3A_18, %div3A : i32
    %jit3A_19 = arith.constant 512 : i32
    %eq3A = arith.constant 0 : i32
    %eq3A_20 = arith.cmpi eq, %jit3A_19, %eq3A : i32
    %jit3A_21 = arith.constant 1 : i32
    %select_n3A_22 = arith.select %eq3A_20, %jit3A_21, %jit3A_19 : i32
    %rem3A_23 = arith.remsi %mul3A_2, %select_n3A_22 : i32
    %ne3A_24 = arith.constant 0 : i32
    %ne3A_25 = arith.cmpi ne, %rem3A_23, %ne3A_24 : i32
    %lt3A = arith.constant 0 : i32
    %lt3A_26 = arith.cmpi slt, %rem3A_23, %lt3A : i32
    %lt3A_27 = arith.constant 0 : i32
    %lt3A_28 = arith.cmpi slt, %select_n3A_22, %lt3A_27 : i32
    %ne3A_29 = arith.xori %lt3A_26, %lt3A_28 : i1
    %and3A_30 = arith.andi %ne3A_29, %ne3A_25 : i1
    %add3A_31 = arith.addi %rem3A_23, %select_n3A_22 : i32
    %select_n3A_32 = arith.select %and3A_30, %add3A_31, %rem3A_23 : i32
    %mul3A_33 = arith.constant 2048 : i32
    %mul3A_34 = arith.muli %select_n3A, %mul3A_33 : i32
    %add3A_35 = arith.constant 0 : i32
    %add3A_36 = arith.addi %mul3A_34, %add3A_35 : i32
    %add3A_37 = arith.addi %add3A_36, %select_n3A_32 : i32
    "tpu.region"() ({
      %run_scoped3A = tpu.sem_alloc : memref<!tpu.dma_semaphore, #tpu.memory_space<semaphore_mem>>
      %dma_start3A_156 = tpu.memref_slice %arg3[%add3A_37] : memref<8192xi32, #tpu.memory_space<hbm>> -> memref<64xi32, #tpu.memory_space<hbm>>
      %dma_start3A_157 = tpu.memref_slice %arg3[%add3A_37] : memref<8192xi32, #tpu.memory_space<hbm>> -> memref<64xi32, #tpu.memory_space<hbm>>
      tpu.enqueue_dma source(%dma_start3A_157 : memref<64xi32, #tpu.memory_space<hbm>>) target(%arg5 : memref<64xi32, #tpu.memory_space<vmem>>) target_semaphore(%run_scoped3A : memref<!tpu.dma_semaphore, #tpu.memory_space<semaphore_mem>>)
      %dma_wait3A_158 = tpu.memref_slice %arg3[%add3A_37] : memref<8192xi32, #tpu.memory_space<hbm>> -> memref<64xi32, #tpu.memory_space<hbm>>
      %dma_wait3A_159 = tpu.memref_slice %arg3[%add3A_37] : memref<8192xi32, #tpu.memory_space<hbm>> -> memref<64xi32, #tpu.memory_space<hbm>>
      tpu.wait_dma2 semaphore(%run_scoped3A : memref<!tpu.dma_semaphore, #tpu.memory_space<semaphore_mem>>) src(%dma_wait3A_159 : memref<64xi32, #tpu.memory_space<hbm>>) dst(%arg5 : memref<64xi32, #tpu.memory_space<vmem>>)
      tpu.yield
    }) : () -> ()
    %dma_start3A = arith.constant 0 : i32
    %dma_start3A_38 = arith.constant 0 : i32
    %dma_start3A_39 = arith.constant 0 : i32
    %dma_start3A_40 = arith.constant 0 : i32
    %dma_start3A_41 = tpu.memref_slice %arg6[%dma_start3A, %dma_start3A_39, %dma_start3A_40] : memref<2x32x1024xf32, #tpu.memory_space<vmem>> -> memref<1x32x1024xf32, #tpu.memory_space<vmem>>
    %dma_start3A_42 = tpu.memref_squeeze %dma_start3A_41 : memref<1x32x1024xf32, #tpu.memory_space<vmem>> -> memref<32x1024xf32, #tpu.memory_space<vmem>>
    %dma_start3A_43 = arith.constant 0 : i32
    %dma_start3A_44 = tpu.memref_slice %arg5[%dma_start3A_43] : memref<64xi32, #tpu.memory_space<vmem>> -> memref<32xi32, #tpu.memory_space<vmem>>
    %dma_start3A_45 = arith.constant 0 : i32
    %dma_start3A_46 = arith.constant 0 : i32
    %dma_start3A_47 = tpu.memref_slice %arg2[%dma_start3A_45, %dma_start3A_46] : memref<100000x1024xf32, #tpu.memory_space<hbm>> -> memref<100000x1024xf32, #tpu.memory_space<hbm>>
    %dma_start3A_48 = tpu.memref_slice %arg7[%dma_start3A_38] : memref<2x!tpu.dma_semaphore, #tpu.memory_space<semaphore_mem>> -> memref<1x!tpu.dma_semaphore, #tpu.memory_space<semaphore_mem>>
    %dma_start3A_49 = tpu.memref_squeeze %dma_start3A_48 : memref<1x!tpu.dma_semaphore, #tpu.memory_space<semaphore_mem>> -> memref<!tpu.dma_semaphore, #tpu.memory_space<semaphore_mem>>
    tpu.enqueue_indirect_dma source(%dma_start3A_47 : memref<100000x1024xf32, #tpu.memory_space<hbm>>) target(%dma_start3A_42 : memref<32x1024xf32, #tpu.memory_space<vmem>>) offsets(%dma_start3A_44 : memref<32xi32, #tpu.memory_space<vmem>>) semaphore(%dma_start3A_49 : memref<!tpu.dma_semaphore, #tpu.memory_space<semaphore_mem>>)
    %dma_start3A_50 = arith.constant 1 : i32
    %dma_start3A_51 = arith.constant 1 : i32
    %dma_start3A_52 = arith.constant 0 : i32
    %dma_start3A_53 = arith.constant 0 : i32
    %dma_start3A_54 = tpu.memref_slice %arg6[%dma_start3A_50, %dma_start3A_52, %dma_start3A_53] : memref<2x32x1024xf32, #tpu.memory_space<vmem>> -> memref<1x32x1024xf32, #tpu.memory_space<vmem>>
    %dma_start3A_55 = tpu.memref_squeeze %dma_start3A_54 : memref<1x32x1024xf32, #tpu.memory_space<vmem>> -> memref<32x1024xf32, #tpu.memory_space<vmem>>
    %dma_start3A_56 = arith.constant 32 : i32
    %dma_start3A_57 = tpu.memref_slice %arg5[%dma_start3A_56] : memref<64xi32, #tpu.memory_space<vmem>> -> memref<32xi32, #tpu.memory_space<vmem>>
    %dma_start3A_58 = arith.constant 0 : i32
    %dma_start3A_59 = arith.constant 0 : i32
    %dma_start3A_60 = tpu.memref_slice %arg2[%dma_start3A_58, %dma_start3A_59] : memref<100000x1024xf32, #tpu.memory_space<hbm>> -> memref<100000x1024xf32, #tpu.memory_space<hbm>>
    %dma_start3A_61 = tpu.memref_slice %arg7[%dma_start3A_51] : memref<2x!tpu.dma_semaphore, #tpu.memory_space<semaphore_mem>> -> memref<1x!tpu.dma_semaphore, #tpu.memory_space<semaphore_mem>>
    %dma_start3A_62 = tpu.memref_squeeze %dma_start3A_61 : memref<1x!tpu.dma_semaphore, #tpu.memory_space<semaphore_mem>> -> memref<!tpu.dma_semaphore, #tpu.memory_space<semaphore_mem>>
    tpu.enqueue_indirect_dma source(%dma_start3A_60 : memref<100000x1024xf32, #tpu.memory_space<hbm>>) target(%dma_start3A_55 : memref<32x1024xf32, #tpu.memory_space<vmem>>) offsets(%dma_start3A_57 : memref<32xi32, #tpu.memory_space<vmem>>) semaphore(%dma_start3A_62 : memref<!tpu.dma_semaphore, #tpu.memory_space<semaphore_mem>>)
    %dma_wait3A = arith.constant 0 : i32
    %dma_wait3A_63 = arith.constant 0 : i32
    %dma_wait3A_64 = arith.constant 0 : i32
    %dma_wait3A_65 = arith.constant 0 : i32
    %dma_wait3A_66 = tpu.memref_slice %arg6[%dma_wait3A, %dma_wait3A_64, %dma_wait3A_65] : memref<2x32x1024xf32, #tpu.memory_space<vmem>> -> memref<1x32x1024xf32, #tpu.memory_space<vmem>>
    %dma_wait3A_67 = tpu.memref_squeeze %dma_wait3A_66 : memref<1x32x1024xf32, #tpu.memory_space<vmem>> -> memref<32x1024xf32, #tpu.memory_space<vmem>>
    %dma_wait3A_68 = arith.constant 0 : i32
    %dma_wait3A_69 = tpu.memref_slice %arg5[%dma_wait3A_68] : memref<64xi32, #tpu.memory_space<vmem>> -> memref<32xi32, #tpu.memory_space<vmem>>
    %dma_wait3A_70 = arith.constant 0 : i32
    %dma_wait3A_71 = arith.constant 0 : i32
    %dma_wait3A_72 = tpu.memref_slice %arg2[%dma_wait3A_70, %dma_wait3A_71] : memref<100000x1024xf32, #tpu.memory_space<hbm>> -> memref<100000x1024xf32, #tpu.memory_space<hbm>>
    %dma_wait3A_73 = tpu.memref_slice %arg7[%dma_wait3A_63] : memref<2x!tpu.dma_semaphore, #tpu.memory_space<semaphore_mem>> -> memref<1x!tpu.dma_semaphore, #tpu.memory_space<semaphore_mem>>
    %dma_wait3A_74 = tpu.memref_squeeze %dma_wait3A_73 : memref<1x!tpu.dma_semaphore, #tpu.memory_space<semaphore_mem>> -> memref<!tpu.dma_semaphore, #tpu.memory_space<semaphore_mem>>
    tpu.wait_indirect_dma semaphore(%dma_wait3A_74 : memref<!tpu.dma_semaphore, #tpu.memory_space<semaphore_mem>>) src(%dma_wait3A_72 : memref<100000x1024xf32, #tpu.memory_space<hbm>>) dst(%dma_wait3A_67 : memref<32x1024xf32, #tpu.memory_space<vmem>>)
    %add3A_75 = arith.constant 0 : i32
    %add3A_76 = arith.addi %mul3A_2, %add3A_75 : i32
    %dma_start3A_77 = arith.constant 0 : i32
    %dma_start3A_78 = arith.constant 0 : i32
    %dma_start3A_79 = arith.constant 0 : i32
    %dma_start3A_80 = arith.constant 0 : i32
    %dma_start3A_81 = tpu.memref_slice %arg6[%dma_start3A_77, %dma_start3A_79, %dma_start3A_80] : memref<2x32x1024xf32, #tpu.memory_space<vmem>> -> memref<1x32x1024xf32, #tpu.memory_space<vmem>>
    %dma_start3A_82 = tpu.memref_squeeze %dma_start3A_81 : memref<1x32x1024xf32, #tpu.memory_space<vmem>> -> memref<32x1024xf32, #tpu.memory_space<vmem>>
    %dma_start3A_83 = arith.constant 0 : i32
    %dma_start3A_84 = tpu.memref_slice %arg4[%add3A_76, %dma_start3A_83] : memref<2048x1024xf32, #tpu.memory_space<hbm>> -> memref<32x1024xf32, #tpu.memory_space<hbm>>
    %dma_start3A_85 = tpu.memref_slice %arg8[%dma_start3A_78] : memref<2x!tpu.dma_semaphore, #tpu.memory_space<semaphore_mem>> -> memref<1x!tpu.dma_semaphore, #tpu.memory_space<semaphore_mem>>
    %dma_start3A_86 = tpu.memref_squeeze %dma_start3A_85 : memref<1x!tpu.dma_semaphore, #tpu.memory_space<semaphore_mem>> -> memref<!tpu.dma_semaphore, #tpu.memory_space<semaphore_mem>>
    %dma_start3A_87 = arith.constant 0 : i32
    %dma_start3A_88 = tpu.memref_slice %arg4[%add3A_76, %dma_start3A_87] : memref<2048x1024xf32, #tpu.memory_space<hbm>> -> memref<32x1024xf32, #tpu.memory_space<hbm>>
    %dma_start3A_89 = arith.constant 0 : i32
    %dma_start3A_90 = arith.constant 0 : i32
    %dma_start3A_91 = tpu.memref_slice %arg6[%dma_start3A_77, %dma_start3A_89, %dma_start3A_90] : memref<2x32x1024xf32, #tpu.memory_space<vmem>> -> memref<1x32x1024xf32, #tpu.memory_space<vmem>>
    %dma_start3A_92 = tpu.memref_squeeze %dma_start3A_91 : memref<1x32x1024xf32, #tpu.memory_space<vmem>> -> memref<32x1024xf32, #tpu.memory_space<vmem>>
    tpu.enqueue_dma source(%dma_start3A_92 : memref<32x1024xf32, #tpu.memory_space<vmem>>) target(%dma_start3A_88 : memref<32x1024xf32, #tpu.memory_space<hbm>>) target_semaphore(%dma_start3A_86 : memref<!tpu.dma_semaphore, #tpu.memory_space<semaphore_mem>>)
    %dma_wait3A_93 = arith.constant 1 : i32
    %dma_wait3A_94 = arith.constant 1 : i32
    %dma_wait3A_95 = arith.constant 0 : i32
    %dma_wait3A_96 = arith.constant 0 : i32
    %dma_wait3A_97 = tpu.memref_slice %arg6[%dma_wait3A_93, %dma_wait3A_95, %dma_wait3A_96] : memref<2x32x1024xf32, #tpu.memory_space<vmem>> -> memref<1x32x1024xf32, #tpu.memory_space<vmem>>
    %dma_wait3A_98 = tpu.memref_squeeze %dma_wait3A_97 : memref<1x32x1024xf32, #tpu.memory_space<vmem>> -> memref<32x1024xf32, #tpu.memory_space<vmem>>
    %dma_wait3A_99 = arith.constant 32 : i32
    %dma_wait3A_100 = tpu.memref_slice %arg5[%dma_wait3A_99] : memref<64xi32, #tpu.memory_space<vmem>> -> memref<32xi32, #tpu.memory_space<vmem>>
    %dma_wait3A_101 = arith.constant 0 : i32
    %dma_wait3A_102 = arith.constant 0 : i32
    %dma_wait3A_103 = tpu.memref_slice %arg2[%dma_wait3A_101, %dma_wait3A_102] : memref<100000x1024xf32, #tpu.memory_space<hbm>> -> memref<100000x1024xf32, #tpu.memory_space<hbm>>
    %dma_wait3A_104 = tpu.memref_slice %arg7[%dma_wait3A_94] : memref<2x!tpu.dma_semaphore, #tpu.memory_space<semaphore_mem>> -> memref<1x!tpu.dma_semaphore, #tpu.memory_space<semaphore_mem>>
    %dma_wait3A_105 = tpu.memref_squeeze %dma_wait3A_104 : memref<1x!tpu.dma_semaphore, #tpu.memory_space<semaphore_mem>> -> memref<!tpu.dma_semaphore, #tpu.memory_space<semaphore_mem>>
    tpu.wait_indirect_dma semaphore(%dma_wait3A_105 : memref<!tpu.dma_semaphore, #tpu.memory_space<semaphore_mem>>) src(%dma_wait3A_103 : memref<100000x1024xf32, #tpu.memory_space<hbm>>) dst(%dma_wait3A_98 : memref<32x1024xf32, #tpu.memory_space<vmem>>)
    %add3A_106 = arith.constant 32 : i32
    %add3A_107 = arith.addi %mul3A_2, %add3A_106 : i32
    %dma_start3A_108 = arith.constant 1 : i32
    %dma_start3A_109 = arith.constant 1 : i32
    %dma_start3A_110 = arith.constant 0 : i32
    %dma_start3A_111 = arith.constant 0 : i32
    %dma_start3A_112 = tpu.memref_slice %arg6[%dma_start3A_108, %dma_start3A_110, %dma_start3A_111] : memref<2x32x1024xf32, #tpu.memory_space<vmem>> -> memref<1x32x1024xf32, #tpu.memory_space<vmem>>
    %dma_start3A_113 = tpu.memref_squeeze %dma_start3A_112 : memref<1x32x1024xf32, #tpu.memory_space<vmem>> -> memref<32x1024xf32, #tpu.memory_space<vmem>>
    %dma_start3A_114 = arith.constant 0 : i32
    %dma_start3A_115 = tpu.memref_slice %arg4[%add3A_107, %dma_start3A_114] : memref<2048x1024xf32, #tpu.memory_space<hbm>> -> memref<32x1024xf32, #tpu.memory_space<hbm>>
    %dma_start3A_116 = tpu.memref_slice %arg8[%dma_start3A_109] : memref<2x!tpu.dma_semaphore, #tpu.memory_space<semaphore_mem>> -> memref<1x!tpu.dma_semaphore, #tpu.memory_space<semaphore_mem>>
    %dma_start3A_117 = tpu.memref_squeeze %dma_start3A_116 : memref<1x!tpu.dma_semaphore, #tpu.memory_space<semaphore_mem>> -> memref<!tpu.dma_semaphore, #tpu.memory_space<semaphore_mem>>
    %dma_start3A_118 = arith.constant 0 : i32
    %dma_start3A_119 = tpu.memref_slice %arg4[%add3A_107, %dma_start3A_118] : memref<2048x1024xf32, #tpu.memory_space<hbm>> -> memref<32x1024xf32, #tpu.memory_space<hbm>>
    %dma_start3A_120 = arith.constant 0 : i32
    %dma_start3A_121 = arith.constant 0 : i32
    %dma_start3A_122 = tpu.memref_slice %arg6[%dma_start3A_108, %dma_start3A_120, %dma_start3A_121] : memref<2x32x1024xf32, #tpu.memory_space<vmem>> -> memref<1x32x1024xf32, #tpu.memory_space<vmem>>
    %dma_start3A_123 = tpu.memref_squeeze %dma_start3A_122 : memref<1x32x1024xf32, #tpu.memory_space<vmem>> -> memref<32x1024xf32, #tpu.memory_space<vmem>>
    tpu.enqueue_dma source(%dma_start3A_123 : memref<32x1024xf32, #tpu.memory_space<vmem>>) target(%dma_start3A_119 : memref<32x1024xf32, #tpu.memory_space<hbm>>) target_semaphore(%dma_start3A_117 : memref<!tpu.dma_semaphore, #tpu.memory_space<semaphore_mem>>)
    %dma_wait3A_124 = arith.constant 0 : i32
    %dma_wait3A_125 = arith.constant 0 : i32
    %dma_wait3A_126 = arith.constant 0 : i32
    %dma_wait3A_127 = arith.constant 0 : i32
    %dma_wait3A_128 = tpu.memref_slice %arg6[%dma_wait3A_124, %dma_wait3A_126, %dma_wait3A_127] : memref<2x32x1024xf32, #tpu.memory_space<vmem>> -> memref<1x32x1024xf32, #tpu.memory_space<vmem>>
    %dma_wait3A_129 = tpu.memref_squeeze %dma_wait3A_128 : memref<1x32x1024xf32, #tpu.memory_space<vmem>> -> memref<32x1024xf32, #tpu.memory_space<vmem>>
    %dma_wait3A_130 = arith.constant 0 : i32
    %dma_wait3A_131 = tpu.memref_slice %arg4[%add3A_76, %dma_wait3A_130] : memref<2048x1024xf32, #tpu.memory_space<hbm>> -> memref<32x1024xf32, #tpu.memory_space<hbm>>
    %dma_wait3A_132 = tpu.memref_slice %arg8[%dma_wait3A_125] : memref<2x!tpu.dma_semaphore, #tpu.memory_space<semaphore_mem>> -> memref<1x!tpu.dma_semaphore, #tpu.memory_space<semaphore_mem>>
    %dma_wait3A_133 = tpu.memref_squeeze %dma_wait3A_132 : memref<1x!tpu.dma_semaphore, #tpu.memory_space<semaphore_mem>> -> memref<!tpu.dma_semaphore, #tpu.memory_space<semaphore_mem>>
    %dma_wait3A_134 = arith.constant 0 : i32
    %dma_wait3A_135 = tpu.memref_slice %arg4[%add3A_76, %dma_wait3A_134] : memref<2048x1024xf32, #tpu.memory_space<hbm>> -> memref<32x1024xf32, #tpu.memory_space<hbm>>
    %dma_wait3A_136 = arith.constant 0 : i32
    %dma_wait3A_137 = arith.constant 0 : i32
    %dma_wait3A_138 = tpu.memref_slice %arg6[%dma_wait3A_124, %dma_wait3A_136, %dma_wait3A_137] : memref<2x32x1024xf32, #tpu.memory_space<vmem>> -> memref<1x32x1024xf32, #tpu.memory_space<vmem>>
    %dma_wait3A_139 = tpu.memref_squeeze %dma_wait3A_138 : memref<1x32x1024xf32, #tpu.memory_space<vmem>> -> memref<32x1024xf32, #tpu.memory_space<vmem>>
    tpu.wait_dma2 semaphore(%dma_wait3A_133 : memref<!tpu.dma_semaphore, #tpu.memory_space<semaphore_mem>>) src(%dma_wait3A_139 : memref<32x1024xf32, #tpu.memory_space<vmem>>) dst(%dma_wait3A_135 : memref<32x1024xf32, #tpu.memory_space<hbm>>)
    %dma_wait3A_140 = arith.constant 1 : i32
    %dma_wait3A_141 = arith.constant 1 : i32
    %dma_wait3A_142 = arith.constant 0 : i32
    %dma_wait3A_143 = arith.constant 0 : i32
    %dma_wait3A_144 = tpu.memref_slice %arg6[%dma_wait3A_140, %dma_wait3A_142, %dma_wait3A_143] : memref<2x32x1024xf32, #tpu.memory_space<vmem>> -> memref<1x32x1024xf32, #tpu.memory_space<vmem>>
    %dma_wait3A_145 = tpu.memref_squeeze %dma_wait3A_144 : memref<1x32x1024xf32, #tpu.memory_space<vmem>> -> memref<32x1024xf32, #tpu.memory_space<vmem>>
    %dma_wait3A_146 = arith.constant 0 : i32
    %dma_wait3A_147 = tpu.memref_slice %arg4[%add3A_107, %dma_wait3A_146] : memref<2048x1024xf32, #tpu.memory_space<hbm>> -> memref<32x1024xf32, #tpu.memory_space<hbm>>
    %dma_wait3A_148 = tpu.memref_slice %arg8[%dma_wait3A_141] : memref<2x!tpu.dma_semaphore, #tpu.memory_space<semaphore_mem>> -> memref<1x!tpu.dma_semaphore, #tpu.memory_space<semaphore_mem>>
    %dma_wait3A_149 = tpu.memref_squeeze %dma_wait3A_148 : memref<1x!tpu.dma_semaphore, #tpu.memory_space<semaphore_mem>> -> memref<!tpu.dma_semaphore, #tpu.memory_space<semaphore_mem>>
    %dma_wait3A_150 = arith.constant 0 : i32
    %dma_wait3A_151 = tpu.memref_slice %arg4[%add3A_107, %dma_wait3A_150] : memref<2048x1024xf32, #tpu.memory_space<hbm>> -> memref<32x1024xf32, #tpu.memory_space<hbm>>
    %dma_wait3A_152 = arith.constant 0 : i32
    %dma_wait3A_153 = arith.constant 0 : i32
    %dma_wait3A_154 = tpu.memref_slice %arg6[%dma_wait3A_140, %dma_wait3A_152, %dma_wait3A_153] : memref<2x32x1024xf32, #tpu.memory_space<vmem>> -> memref<1x32x1024xf32, #tpu.memory_space<vmem>>
    %dma_wait3A_155 = tpu.memref_squeeze %dma_wait3A_154 : memref<1x32x1024xf32, #tpu.memory_space<vmem>> -> memref<32x1024xf32, #tpu.memory_space<vmem>>
    tpu.wait_dma2 semaphore(%dma_wait3A_149 : memref<!tpu.dma_semaphore, #tpu.memory_space<semaphore_mem>>) src(%dma_wait3A_155 : memref<32x1024xf32, #tpu.memory_space<vmem>>) dst(%dma_wait3A_151 : memref<32x1024xf32, #tpu.memory_space<hbm>>)
    return
  }
}

module attributes {stable_mosaic.version = 14 : i64} {
  func.func @_tc_epilogue_body(%arg0: i32, %arg1: i32, %arg2: memref<512x1xi32, #tpu.memory_space<vmem>>, %arg3: memref<512x1024xf32, #tpu.memory_space<vmem>>, %arg4: memref<512x1024xf32, #tpu.memory_space<vmem>>, %arg5: memref<2x1024xf32, #tpu.memory_space<vmem>>, %arg6: memref<1x1024xf32, #tpu.memory_space<vmem>>, %arg7: memref<1x1024xf32, #tpu.memory_space<vmem>>, %arg8: memref<512x1024xf32, #tpu.memory_space<vmem>>) attributes {dimension_semantics = [#tpu.dimension_semantics<arbitrary>, #tpu.dimension_semantics<arbitrary>], iteration_bounds = array<i64: 1, 4>, scalar_prefetch = 0 : i64, scratch_operands = 0 : i64, tpu.core_type = #tpu.core_type<tc>, window_params = [{transform_indices = @transform_0, window_bounds = array<i64: 512, 1>}, {transform_indices = @transform_1, window_bounds = array<i64: 512, 1024>}, {transform_indices = @transform_2, window_bounds = array<i64: 512, 1024>}, {pipeline_mode = #tpu.pipeline_mode<synchronous>, transform_indices = @transform_3, window_bounds = array<i64: 2, 1024>}, {pipeline_mode = #tpu.pipeline_mode<synchronous>, transform_indices = @transform_4, window_bounds = array<i64: 1, 1024>}, {pipeline_mode = #tpu.pipeline_mode<synchronous>, transform_indices = @transform_5, window_bounds = array<i64: 1, 1024>}, {transform_indices = @transform_6, window_bounds = array<i64: 512, 1024>}]} {
    %get3A = arith.constant 0 : index
    %get3A_0 = arith.constant 0 : index
    %get3A_1 = vector.load %arg3[%get3A, %get3A_0] : memref<512x1024xf32, #tpu.memory_space<vmem>>, vector<512x1024xf32>
    %get3A_2 = arith.constant 0 : index
    %get3A_3 = arith.constant 0 : index
    %get3A_4 = vector.load %arg4[%get3A_2, %get3A_3] : memref<512x1024xf32, #tpu.memory_space<vmem>>, vector<512x1024xf32>
    %add3A = arith.addf %get3A_1, %get3A_4 : vector<512x1024xf32>
    %get3A_5 = arith.constant 0 : index
    %get3A_6 = arith.constant 0 : index
    %get3A_7 = vector.load %arg2[%get3A_5, %get3A_6] : memref<512x1xi32, #tpu.memory_space<vmem>>, vector<512x1xi32>
    %eq3A = arith.constant 0 : i32
    %eq3A_8 = vector.broadcast %eq3A : i32 to vector<512x1xi32>
    %eq3A_9 = arith.cmpi eq, %get3A_7, %eq3A_8 : vector<512x1xi32>
    %get3A_10 = arith.constant 0 : index
    %get3A_11 = arith.constant 0 : index
    %get3A_12 = vector.load %arg5[%get3A_10, %get3A_11] : memref<2x1024xf32, #tpu.memory_space<vmem>>, vector<1x1024xf32>
    %get3A_13 = arith.constant 1 : index
    %get3A_14 = arith.constant 0 : index
    %get3A_15 = vector.load %arg5[%get3A_13, %get3A_14] : memref<2x1024xf32, #tpu.memory_space<vmem>>, vector<1x1024xf32>
    %broadcast_in_dim3A = vector.shape_cast %eq3A_9 : vector<512x1xi1> to vector<512x1xi1>
    %broadcast_in_dim3A_16 = vector.broadcast %broadcast_in_dim3A : vector<512x1xi1> to vector<512x1024xi1>
    %broadcast_in_dim3A_17 = vector.shape_cast %get3A_12 : vector<1x1024xf32> to vector<1x1024xf32>
    %broadcast_in_dim3A_18 = vector.broadcast %broadcast_in_dim3A_17 : vector<1x1024xf32> to vector<512x1024xf32>
    %broadcast_in_dim3A_19 = vector.shape_cast %get3A_15 : vector<1x1024xf32> to vector<1x1024xf32>
    %broadcast_in_dim3A_20 = vector.broadcast %broadcast_in_dim3A_19 : vector<1x1024xf32> to vector<512x1024xf32>
    %select_n3A = arith.select %broadcast_in_dim3A_16, %broadcast_in_dim3A_18, %broadcast_in_dim3A_20 : vector<512x1024xi1>, vector<512x1024xf32>
    %add3A_21 = arith.addf %add3A, %select_n3A : vector<512x1024xf32>
    %reduce_sum3A = arith.constant dense<0.000000e+00> : vector<512xf32>
    %reduce_sum3A_22 = vector.multi_reduction <add>, %add3A_21, %reduce_sum3A [1] : vector<512x1024xf32> to vector<512xf32>
    %broadcast_in_dim3A_23 = vector.shape_cast %reduce_sum3A_22 : vector<512xf32> to vector<512x1xf32>
    %div3A = arith.constant 1.024000e+03 : f32
    %div3A_24 = vector.broadcast %div3A : f32 to vector<512x1xf32>
    %div3A_25 = arith.divf %broadcast_in_dim3A_23, %div3A_24 : vector<512x1xf32>
    %sub3A = vector.broadcast %div3A_25 : vector<512x1xf32> to vector<512x1024xf32>
    %sub3A_26 = arith.subf %add3A_21, %sub3A : vector<512x1024xf32>
    %mul3A = arith.mulf %sub3A_26, %sub3A_26 : vector<512x1024xf32>
    %reduce_sum3A_27 = arith.constant dense<0.000000e+00> : vector<512xf32>
    %reduce_sum3A_28 = vector.multi_reduction <add>, %mul3A, %reduce_sum3A_27 [1] : vector<512x1024xf32> to vector<512xf32>
    %broadcast_in_dim3A_29 = vector.shape_cast %reduce_sum3A_28 : vector<512xf32> to vector<512x1xf32>
    %div3A_30 = arith.constant 1.024000e+03 : f32
    %div3A_31 = vector.broadcast %div3A_30 : f32 to vector<512x1xf32>
    %div3A_32 = arith.divf %broadcast_in_dim3A_29, %div3A_31 : vector<512x1xf32>
    %add3A_33 = arith.constant 9.99999996E-13 : f32
    %add3A_34 = vector.broadcast %add3A_33 : f32 to vector<512x1xf32>
    %add3A_35 = arith.addf %div3A_32, %add3A_34 : vector<512x1xf32>
    %rsqrt3A = math.rsqrt %add3A_35 : vector<512x1xf32>
    %mul3A_36 = vector.broadcast %rsqrt3A : vector<512x1xf32> to vector<512x1024xf32>
    %mul3A_37 = arith.mulf %sub3A_26, %mul3A_36 : vector<512x1024xf32>
    %get3A_38 = arith.constant 0 : index
    %get3A_39 = arith.constant 0 : index
    %get3A_40 = vector.load %arg6[%get3A_38, %get3A_39] : memref<1x1024xf32, #tpu.memory_space<vmem>>, vector<1x1024xf32>
    %mul3A_41 = vector.broadcast %get3A_40 : vector<1x1024xf32> to vector<512x1024xf32>
    %mul3A_42 = arith.mulf %mul3A_37, %mul3A_41 : vector<512x1024xf32>
    %get3A_43 = arith.constant 0 : index
    %get3A_44 = arith.constant 0 : index
    %get3A_45 = vector.load %arg7[%get3A_43, %get3A_44] : memref<1x1024xf32, #tpu.memory_space<vmem>>, vector<1x1024xf32>
    %add3A_46 = vector.broadcast %get3A_45 : vector<1x1024xf32> to vector<512x1024xf32>
    %add3A_47 = arith.addf %mul3A_42, %add3A_46 : vector<512x1024xf32>
    %swap3A = arith.constant 0 : index
    %swap3A_48 = arith.constant 0 : index
    %swap3A_49 = vector.load %arg8[%swap3A, %swap3A_48] : memref<512x1024xf32, #tpu.memory_space<vmem>>, vector<512x1024xf32>
    tpu.vector_store %arg8[%swap3A, %swap3A_48], %add3A_47 {strides = array<i32>} : memref<512x1024xf32, #tpu.memory_space<vmem>>, vector<512x1024xf32>,
    return
  }
  func.func @transform_0(%arg0: i32, %arg1: i32) -> (i32, i32) {
    %mul3A = arith.constant 4 : i32
    %mul3A_0 = arith.muli %arg1, %mul3A : i32
    %add3A = arith.constant 0 : i32
    %add3A_1 = arith.addi %mul3A_0, %add3A : i32
    %add3A_2 = arith.addi %add3A_1, %arg0 : i32
    %c0_i32 = arith.constant 0 : i32
    %c0_i32_3 = arith.constant 0 : i32
    return %add3A_2, %c0_i32 : i32, i32
  }
  func.func @transform_1(%arg0: i32, %arg1: i32) -> (i32, i32) {
    %mul3A = arith.constant 1 : i32
    %mul3A_0 = arith.muli %arg1, %mul3A : i32
    %add3A = arith.addi %mul3A_0, %arg0 : i32
    %c0_i32 = arith.constant 0 : i32
    %c0_i32_1 = arith.constant 0 : i32
    return %add3A, %c0_i32 : i32, i32
  }
  func.func @transform_2(%arg0: i32, %arg1: i32) -> (i32, i32) {
    %add3A = arith.constant 0 : i32
    %add3A_0 = arith.addi %add3A, %arg0 : i32
    %c0_i32 = arith.constant 0 : i32
    %c0_i32_1 = arith.constant 0 : i32
    return %add3A_0, %c0_i32 : i32, i32
  }
  func.func @transform_3(%arg0: i32, %arg1: i32) -> (i32, i32) {
    %c0_i32 = arith.constant 0 : i32
    %c0_i32_0 = arith.constant 0 : i32
    %c0_i32_1 = arith.constant 0 : i32
    return %c0_i32, %c0_i32_0 : i32, i32
  }
  func.func @transform_4(%arg0: i32, %arg1: i32) -> (i32, i32) {
    %c0_i32 = arith.constant 0 : i32
    %c0_i32_0 = arith.constant 0 : i32
    %c0_i32_1 = arith.constant 0 : i32
    return %c0_i32, %c0_i32_0 : i32, i32
  }
  func.func @transform_5(%arg0: i32, %arg1: i32) -> (i32, i32) {
    %c0_i32 = arith.constant 0 : i32
    %c0_i32_0 = arith.constant 0 : i32
    %c0_i32_1 = arith.constant 0 : i32
    return %c0_i32, %c0_i32_0 : i32, i32
  }
  func.func @transform_6(%arg0: i32, %arg1: i32) -> (i32, i32) {
    %mul3A = arith.constant 4 : i32
    %mul3A_0 = arith.muli %arg1, %mul3A : i32
    %add3A = arith.constant 0 : i32
    %add3A_1 = arith.addi %mul3A_0, %add3A : i32
    %add3A_2 = arith.addi %add3A_1, %arg0 : i32
    %c0_i32 = arith.constant 0 : i32
    %c0_i32_3 = arith.constant 0 : i32
    return %add3A_2, %c0_i32 : i32, i32
  }
}

module attributes {stable_mosaic.version = 14 : i64} {
  func.func @_tc_epilogue_body(%arg0: i32, %arg1: i32, %arg2: memref<512x1xi32, #tpu.memory_space<vmem>>, %arg3: memref<512x1024xf32, #tpu.memory_space<vmem>>, %arg4: memref<512x1024xf32, #tpu.memory_space<vmem>>, %arg5: memref<2x1024xf32, #tpu.memory_space<vmem>>, %arg6: memref<1x1024xf32, #tpu.memory_space<vmem>>, %arg7: memref<1x1024xf32, #tpu.memory_space<vmem>>, %arg8: memref<8192x1024xf32, #tpu.memory_space<any>>, %arg9: memref<512x1024xf32, #tpu.memory_space<vmem>>) attributes {dimension_semantics = [#tpu.dimension_semantics<arbitrary>, #tpu.dimension_semantics<arbitrary>], iteration_bounds = array<i64: 3, 4>, scalar_prefetch = 0 : i64, scratch_operands = 0 : i64, tpu.core_type = #tpu.core_type<tc>, window_params = [{transform_indices = @transform_0, window_bounds = array<i64: 512, 1>}, {transform_indices = @transform_1, window_bounds = array<i64: 512, 1024>}, {transform_indices = @transform_2, window_bounds = array<i64: 512, 1024>}, {pipeline_mode = #tpu.pipeline_mode<synchronous>, transform_indices = @transform_3, window_bounds = array<i64: 2, 1024>}, {pipeline_mode = #tpu.pipeline_mode<synchronous>, transform_indices = @transform_4, window_bounds = array<i64: 1, 1024>}, {pipeline_mode = #tpu.pipeline_mode<synchronous>, transform_indices = @transform_5, window_bounds = array<i64: 1, 1024>}, {}, {transform_indices = @transform_7, window_bounds = array<i64: 512, 1024>}]} {
    %get3A = arith.constant 0 : index
    %get3A_0 = arith.constant 0 : index
    %get3A_1 = vector.load %arg3[%get3A, %get3A_0] : memref<512x1024xf32, #tpu.memory_space<vmem>>, vector<512x1024xf32>
    %get3A_2 = arith.constant 0 : index
    %get3A_3 = arith.constant 0 : index
    %get3A_4 = vector.load %arg4[%get3A_2, %get3A_3] : memref<512x1024xf32, #tpu.memory_space<vmem>>, vector<512x1024xf32>
    %add3A = arith.addf %get3A_1, %get3A_4 : vector<512x1024xf32>
    %get3A_5 = arith.constant 0 : index
    %get3A_6 = arith.constant 0 : index
    %get3A_7 = vector.load %arg2[%get3A_5, %get3A_6] : memref<512x1xi32, #tpu.memory_space<vmem>>, vector<512x1xi32>
    %eq3A = arith.constant 0 : i32
    %eq3A_8 = vector.broadcast %eq3A : i32 to vector<512x1xi32>
    %eq3A_9 = arith.cmpi eq, %get3A_7, %eq3A_8 : vector<512x1xi32>
    %get3A_10 = arith.constant 0 : index
    %get3A_11 = arith.constant 0 : index
    %get3A_12 = vector.load %arg5[%get3A_10, %get3A_11] : memref<2x1024xf32, #tpu.memory_space<vmem>>, vector<1x1024xf32>
    %get3A_13 = arith.constant 1 : index
    %get3A_14 = arith.constant 0 : index
    %get3A_15 = vector.load %arg5[%get3A_13, %get3A_14] : memref<2x1024xf32, #tpu.memory_space<vmem>>, vector<1x1024xf32>
    %broadcast_in_dim3A = vector.shape_cast %eq3A_9 : vector<512x1xi1> to vector<512x1xi1>
    %broadcast_in_dim3A_16 = vector.broadcast %broadcast_in_dim3A : vector<512x1xi1> to vector<512x1024xi1>
    %broadcast_in_dim3A_17 = vector.shape_cast %get3A_12 : vector<1x1024xf32> to vector<1x1024xf32>
    %broadcast_in_dim3A_18 = vector.broadcast %broadcast_in_dim3A_17 : vector<1x1024xf32> to vector<512x1024xf32>
    %broadcast_in_dim3A_19 = vector.shape_cast %get3A_15 : vector<1x1024xf32> to vector<1x1024xf32>
    %broadcast_in_dim3A_20 = vector.broadcast %broadcast_in_dim3A_19 : vector<1x1024xf32> to vector<512x1024xf32>
    %select_n3A = arith.select %broadcast_in_dim3A_16, %broadcast_in_dim3A_18, %broadcast_in_dim3A_20 : vector<512x1024xi1>, vector<512x1024xf32>
    %add3A_21 = arith.addf %add3A, %select_n3A : vector<512x1024xf32>
    %reduce_sum3A = arith.constant dense<0.000000e+00> : vector<512xf32>
    %reduce_sum3A_22 = vector.multi_reduction <add>, %add3A_21, %reduce_sum3A [1] : vector<512x1024xf32> to vector<512xf32>
    %broadcast_in_dim3A_23 = vector.shape_cast %reduce_sum3A_22 : vector<512xf32> to vector<512x1xf32>
    %div3A = arith.constant 1.024000e+03 : f32
    %div3A_24 = vector.broadcast %div3A : f32 to vector<512x1xf32>
    %div3A_25 = arith.divf %broadcast_in_dim3A_23, %div3A_24 : vector<512x1xf32>
    %sub3A = vector.broadcast %div3A_25 : vector<512x1xf32> to vector<512x1024xf32>
    %sub3A_26 = arith.subf %add3A_21, %sub3A : vector<512x1024xf32>
    %mul3A = arith.mulf %sub3A_26, %sub3A_26 : vector<512x1024xf32>
    %reduce_sum3A_27 = arith.constant dense<0.000000e+00> : vector<512xf32>
    %reduce_sum3A_28 = vector.multi_reduction <add>, %mul3A, %reduce_sum3A_27 [1] : vector<512x1024xf32> to vector<512xf32>
    %broadcast_in_dim3A_29 = vector.shape_cast %reduce_sum3A_28 : vector<512xf32> to vector<512x1xf32>
    %div3A_30 = arith.constant 1.024000e+03 : f32
    %div3A_31 = vector.broadcast %div3A_30 : f32 to vector<512x1xf32>
    %div3A_32 = arith.divf %broadcast_in_dim3A_29, %div3A_31 : vector<512x1xf32>
    %add3A_33 = arith.constant 9.99999996E-13 : f32
    %add3A_34 = vector.broadcast %add3A_33 : f32 to vector<512x1xf32>
    %add3A_35 = arith.addf %div3A_32, %add3A_34 : vector<512x1xf32>
    %rsqrt3A = math.rsqrt %add3A_35 : vector<512x1xf32>
    %mul3A_36 = vector.broadcast %rsqrt3A : vector<512x1xf32> to vector<512x1024xf32>
    %mul3A_37 = arith.mulf %sub3A_26, %mul3A_36 : vector<512x1024xf32>
    %get3A_38 = arith.constant 0 : index
    %get3A_39 = arith.constant 0 : index
    %get3A_40 = vector.load %arg6[%get3A_38, %get3A_39] : memref<1x1024xf32, #tpu.memory_space<vmem>>, vector<1x1024xf32>
    %mul3A_41 = vector.broadcast %get3A_40 : vector<1x1024xf32> to vector<512x1024xf32>
    %mul3A_42 = arith.mulf %mul3A_37, %mul3A_41 : vector<512x1024xf32>
    %get3A_43 = arith.constant 0 : index
    %get3A_44 = arith.constant 0 : index
    %get3A_45 = vector.load %arg7[%get3A_43, %get3A_44] : memref<1x1024xf32, #tpu.memory_space<vmem>>, vector<1x1024xf32>
    %add3A_46 = vector.broadcast %get3A_45 : vector<1x1024xf32> to vector<512x1024xf32>
    %add3A_47 = arith.addf %mul3A_42, %add3A_46 : vector<512x1024xf32>
    %swap3A = arith.constant 0 : index
    %swap3A_48 = arith.constant 0 : index
    %swap3A_49 = vector.load %arg9[%swap3A, %swap3A_48] : memref<512x1024xf32, #tpu.memory_space<vmem>>, vector<512x1024xf32>
    tpu.vector_store %arg9[%swap3A, %swap3A_48], %add3A_47 {strides = array<i32>} : memref<512x1024xf32, #tpu.memory_space<vmem>>, vector<512x1024xf32>,
    return
  }
  func.func @transform_0(%arg0: i32, %arg1: i32) -> (i32, i32) {
    %mul3A = arith.constant 4 : i32
    %mul3A_0 = arith.muli %arg1, %mul3A : i32
    %add3A = arith.constant 1 : i32
    %add3A_1 = arith.addi %mul3A_0, %add3A : i32
    %add3A_2 = arith.addi %add3A_1, %arg0 : i32
    %c0_i32 = arith.constant 0 : i32
    %c0_i32_3 = arith.constant 0 : i32
    return %add3A_2, %c0_i32 : i32, i32
  }
  func.func @transform_1(%arg0: i32, %arg1: i32) -> (i32, i32) {
    %mul3A = arith.constant 3 : i32
    %mul3A_0 = arith.muli %arg1, %mul3A : i32
    %add3A = arith.addi %mul3A_0, %arg0 : i32
    %c0_i32 = arith.constant 0 : i32
    %c0_i32_1 = arith.constant 0 : i32
    return %add3A, %c0_i32 : i32, i32
  }
  func.func @transform_2(%arg0: i32, %arg1: i32) -> (i32, i32) {
    %add3A = arith.constant 1 : i32
    %add3A_0 = arith.addi %add3A, %arg0 : i32
    %c0_i32 = arith.constant 0 : i32
    %c0_i32_1 = arith.constant 0 : i32
    return %add3A_0, %c0_i32 : i32, i32
  }
  func.func @transform_3(%arg0: i32, %arg1: i32) -> (i32, i32) {
    %c0_i32 = arith.constant 0 : i32
    %c0_i32_0 = arith.constant 0 : i32
    %c0_i32_1 = arith.constant 0 : i32
    return %c0_i32, %c0_i32_0 : i32, i32
  }
  func.func @transform_4(%arg0: i32, %arg1: i32) -> (i32, i32) {
    %c0_i32 = arith.constant 0 : i32
    %c0_i32_0 = arith.constant 0 : i32
    %c0_i32_1 = arith.constant 0 : i32
    return %c0_i32, %c0_i32_0 : i32, i32
  }
  func.func @transform_5(%arg0: i32, %arg1: i32) -> (i32, i32) {
    %c0_i32 = arith.constant 0 : i32
    %c0_i32_0 = arith.constant 0 : i32
    %c0_i32_1 = arith.constant 0 : i32
    return %c0_i32, %c0_i32_0 : i32, i32
  }
  func.func @transform_7(%arg0: i32, %arg1: i32) -> (i32, i32) {
    %mul3A = arith.constant 4 : i32
    %mul3A_0 = arith.muli %arg1, %mul3A : i32
    %add3A = arith.constant 1 : i32
    %add3A_1 = arith.addi %mul3A_0, %add3A : i32
    %add3A_2 = arith.addi %add3A_1, %arg0 : i32
    %c0_i32 = arith.constant 0 : i32
    %c0_i32_3 = arith.constant 0 : i32
    return %add3A_2, %c0_i32 : i32, i32
  }
}

</mosaic_0001>

<sc_bundles>
// kernel: kernel.6.cloned.1.call-start
scs
__scs_entry_jumppad:
0x0: {  	(pc) =	sbr.rel $0x88, $3  }
0x1: {  	(tag) =	ssettag $0x0;
	lr =	simm.s32 $0x1  }
0x2: {  	[smem:$0x3F9A] =	sst lr;
	_ =	strace $0xD0000000  }
0x3: {  	_ = 	snop  }
0x4: {  	_ = 	snop  }
0x5: {  	_ = 	snop  }
0x6: {  	_ = 	snop  }
0x7: {  	_ = 	snop  }
__scs_overlays_trampoline_lowered:
0x8: {  	[smem:$0x3FA9] =	sst s0  }
0x9: {  	[smem:$0x3FAA] =	sst s1  }
0xa: {  	[smem:$0x3FAB] =	sst s2  }
0xb: {  	[smem:$0x3FAC] =	sst s3  }
0xc: {  	[smem:$0x3FAD] =	sst s4  }
0xd: {  	[smem:$0x3FAE] =	sst s5  }
0xe: {  	[smem:$0x3FAF] =	sst s6  }
0xf: {  	[smem:$0x3FB0] =	sst s7  }
0x10: {  	[smem:$0x3FB1] =	sst s8  }
0x11: {  	[smem:$0x3FB2] =	sst s9;
	s0 =	simm.s32 @!p0 $0x0  }
0x12: {  	s1 =	sld [smem:$0x3F98];
	s0 =	simm.s32 @p0 $0x1  }
0x13: {  	[smem:$0x3FB3] =	sst s0;
	s0 =	simm.s32 @!p1 $0x0  }
0x14: {  	s2 =	sld [smem:$0x3F97];
	s0 =	simm.s32 @p1 $0x1  }
0x15: {  	[smem:$0x3FB4] =	sst s0;
	s0 =	simm.s32 @!p2 $0x0  }
0x16: {  	s3 =	sld [smem:$0x3FDB];
	s0 =	simm.s32 @p2 $0x1  }
0x17: {  	s4 =	simm.s32 $0x1BF5;
	[smem:$0x3FB6] =	sst s0  }
0x18: {  	s0 =	sld [smem:$0x3F99];
	_ =	swait.ge [sflag:s4], $0x0  }
0x19: {  	s7 =	sld [smem:$0x3F9A]  }
0x1a: {  	s8 =	sadd.s32 $0xFFFFE003, lr  }
0x1b: {  	s9 =	sadd.s32 $0xFFFFFEF7, lr;
	s5 =	simm.s32 $0xFFFFFFFF;
	p2 =	slt.u32 s8, $0xFFFFF086  }
0x1c: {  	p1 =	slt.u32 s9, $0xF7A;
	s5 =	simm.s32 @!p2 $0x0  }
0x1d: {  	s5 =	simm.s32 @p1 $0x1;
	p0 =	seq.s32 s7, s2  }
0x1e: {  	s7 =	smul.u32 @!p0 $0xF7A, s2;
	p2 =	seq.s32 @!p0 s5, $0x0  }
0x1f: {  	s9 =	smul.u32 $0xF7A, s1;
	s8 =	simm.s32 @!p0 $0x1BF5;
	p2 =	por !p2, p0  }
0x20: {  	[sflag:s8] =	ssyncset.s32 @!p0 $0xFFFFF086;
	s6 =	sadd.s32 @!p0 s3, s7;
	s7 =	simm.s32 @!p0 $0x108  }
0x21: {  	s3 =	sadd.s32 s3, s9;
	s6 =	sadd.s32 @!p0 $0x88, s6;
	s7 =	simm.s32 @p2 $0x1082  }
0x22: {  	[simem:s7], [sflag:s8] =	dma.local @!p0 [hbm:s6], $0xF7A  }
0x23: {  	s9 =	sor.u32 $0xD0000000, s2;
	s6 =	simm.s32 $0x108;
	_ =	swait.ge @!p0 [sflag:s8], $0x0  }
0x24: {  	s3 =	sadd.s32 $0x88, s3;
	s6 =	simm.s32 @!p1 $0x1082;
	[sflag:s4] =	ssyncset.s32 $0xFFFFF086  }
0x25: {  	[simem:s6], [sflag:s4] =	dma.local [hbm:s3], $0xF7A  }
0x26: {  	[smem:$0x3F9A] =	sst s1;
	(tag) =	ssettag s2;
	_ =	strace s9  }
0x27: {  	s1 =	sld [smem:$0x3FAA]  }
0x28: {  	s2 =	sld [smem:$0x3FAB]  }
0x29: {  	s4 =	sld [smem:$0x3FAD]  }
0x2a: {  	p0 =	seq.s32 s5, $0x0;
	s5 =	sld [smem:$0x3FAE]  }
0x2b: {  	s6 =	sld [smem:$0x3FAF]  }
0x2c: {  	s7 =	sld [smem:$0x3FB0]  }
0x2d: {  	s3 =	simm.s32 $0x108;
	s8 =	sld [smem:$0x3FB1]  }
0x2e: {  	s3 =	simm.s32 @!p0 $0x1082;
	s9 =	sld [smem:$0x3FB2]  }
0x2f: {  	lr =	sadd.s32 s0, s3;
	s0 =	sld [smem:$0x3FA9]  }
0x30: {  	s3 =	sld [smem:$0x3FAC]  }
0x31: {  	[smem:$0x3FB5] =	sst s10  }
0x32: {  	s10 =	sld [smem:$0x3FB3];
	_ =	sdelay $0x3  }
0x33: {  	p0 =	seq.s32 s10, $0x1;
	s10 =	sld [smem:$0x3FB5];
	_ =	sdelay $0x3  }
0x34: {  	[smem:$0x3FB5] =	sst s10  }
0x35: {  	s10 =	sld [smem:$0x3FB4];
	_ =	sdelay $0x3  }
0x36: {  	p1 =	seq.s32 s10, $0x1;
	s10 =	sld [smem:$0x3FB5];
	_ =	sdelay $0x3  }
0x37: {  	[smem:$0x3FB5] =	sst s10  }
0x38: {  	s10 =	sld [smem:$0x3FB6]  }
0x39: {  	_ = 	snop;
	(pc) =	sbr.ind lr, $3  }
0x3a: {  	_ = 	snop  }
0x3b: {  	_ = 	snop  }
0x3c: {  	p2 =	seq.s32 s10, $0x1;
	s10 =	sld [smem:$0x3FB5]  }
0x3d: {  	_ =	shalt  }
0x3e: {  	_ =	shalt  }
0x3f: {  	_ =	shalt  }
0x40: {  	_ =	shalt  }
0x41: {  	_ =	shalt  }
0x42: {  	_ =	shalt  }
0x43: {  	_ =	shalt  }
0x44: {  	_ =	shalt  }
0x45: {  	_ =	shalt  }
0x46: {  	_ =	shalt  }
0x47: {  	_ =	shalt  }
0x48: {  	_ =	shalt  }
0x49: {  	_ =	shalt  }
0x4a: {  	_ =	shalt  }
0x4b: {  	_ =	shalt  }
0x4c: {  	_ =	shalt  }
0x4d: {  	_ =	shalt  }
0x4e: {  	_ =	shalt  }
0x4f: {  	_ =	shalt  }
0x50: {  	_ =	shalt  }
0x51: {  	_ =	shalt  }
0x52: {  	_ =	shalt  }
0x53: {  	_ =	shalt  }
0x54: {  	_ =	shalt  }
0x55: {  	_ =	shalt  }
0x56: {  	_ =	shalt  }
0x57: {  	_ =	shalt  }
0x58: {  	_ =	shalt  }
0x59: {  	_ =	shalt  }
0x5a: {  	_ =	shalt  }
0x5b: {  	_ =	shalt  }
0x5c: {  	_ =	shalt  }
0x5d: {  	_ =	shalt  }
0x5e: {  	_ =	shalt  }
0x5f: {  	_ =	shalt  }
0x60: {  	_ =	shalt  }
0x61: {  	_ =	shalt  }
0x62: {  	_ =	shalt  }
0x63: {  	_ =	shalt  }
0x64: {  	_ =	shalt  }
0x65: {  	_ =	shalt  }
0x66: {  	_ =	shalt  }
0x67: {  	_ =	shalt  }
0x68: {  	_ =	shalt  }
0x69: {  	_ =	shalt  }
0x6a: {  	_ =	shalt  }
0x6b: {  	_ =	shalt  }
0x6c: {  	_ =	shalt  }
0x6d: {  	_ =	shalt  }
0x6e: {  	_ =	shalt  }
0x6f: {  	_ =	shalt  }
0x70: {  	_ =	shalt  }
0x71: {  	_ =	shalt  }
0x72: {  	_ =	shalt  }
0x73: {  	_ =	shalt  }
0x74: {  	_ =	shalt  }
0x75: {  	_ =	shalt  }
0x76: {  	_ =	shalt  }
0x77: {  	_ =	shalt  }
0x78: {  	_ =	shalt  }
0x79: {  	_ =	shalt  }
0x7a: {  	_ =	shalt  }
0x7b: {  	_ =	shalt  }
0x7c: {  	_ =	shalt  }
0x7d: {  	_ =	shalt  }
0x7e: {  	_ =	shalt  }
0x7f: {  	_ =	shalt  }
0x80: {  	_ =	shalt  }
0x81: {  	_ =	shalt  }
0x82: {  	_ =	shalt  }
0x83: {  	_ =	shalt  }
0x84: {  	_ =	shalt  }
0x85: {  	_ =	shalt  }
0x86: {  	_ =	shalt  }
0x87: {  	_ =	shalt  }
.Lfunc_end0:
.L_simem_size_0:
called_computation_lowered:
.L_overlay_start_0:
0x88: {  	s2 =	sld [smem:$0x3FD9]  }
0x89: {  	s3 =	sld [smem:$0x3FFE];
	_ =	sdelay $0x1  }
0x8a: {  	s1 =	srdreg.scid  }
0x8b: {  	s0 =	sand.u32 $0x1, s1  }
0x8c: {  	s17 =	sshll.u32 s0, $0xA;
	s2 =	sadd.s32 s3, s2  }
0x8d: {  	s2 =	sadd.s32 s2, s17  }
0x8e: {  	[smem:$0x3FC1] =	sst s2  }
0x8f: {  	_ = 	snop  }
0x90: {  	s2 =	sld [smem:$0x3FC7]  }
0x91: {  	s18 =	sld [smem:$0x3FD0];
	(tm) =	ssettm $0x1  }
0x92: {  	s4 =	sld [smem:$0x3FFB];
	_ =	sdelay $0x3  }
0x93: {  	_ =	strace s4  }
0x94: {  	s4 =	sld [smem:$0x3FFC];
	_ =	sdelay $0x3  }
0x95: {  	_ =	strace s4  }
0x96: {  	s4 =	sld [smem:$0x3FFD];
	_ =	sdelay $0x3  }
0x97: {  	_ =	strace s4  }
0x98: {  	_ =	strace $0x8FFFFFFF  }
0x99: {  	s19 =	sld [smem:$0x3FDB];
	_ =	sdelay $0x1  }
0x9a: {  	s5 =	simm.s32 $_scs_section_size  }
0x9b: {  	s6 =	simm.s32 $_size__tile_overlayer_lowered;
	s7 =	simm.s32 $_tile_overlayer_lowered  }
0x9c: {  	s22 =	simm.s32 $0x1BFF;
	s21 =	sshll.u32 s7, $0x1;
	s4 =	sadd.s32 s5, s19  }
0x9d: {  	s8 =	simm.s32 $0x0;
	s20 =	sshll.u32 s6, $0x1;
	s6 =	sadd.s32 s21, s4  }
0x9e: {  	[timem:s8], [sflag:s22] =	dma.local [hbm:s6], s20  }
0x9f: {  	_ =	swait.ge [sflag:s22], s20  }
0xa0: {  	s5 =	ssub.s32 $0x0, s20;
	[sflag:s22] =	ssyncset.done $0x0  }
0xa1: {  	[sflag:s22] =	ssyncadd.s32 s5;
	_ =	sdelay $0x1  }
0xa2: {  	s23 =	simm.s32 $0x1B8B  }
0xa3: {  	_ =	swait.ge [sflag:s23], $0x1  }
0xa4: {  	[sflag:s23] =	ssyncset.done $0x0  }
0xa5: {  	s25 =	simm.s32 $0x1B8E;
	s24 =	sld [smem:$0x3FFE];
	[sflag:s23] =	ssyncadd.s32 $0xFFFFFFFF  }
0xa6: {  	s26 =	simm.s32 $execute0_lowered;
	[smem:$0x3FD2] =	sst s25  }
0xa7: {  	s6 =	sshll.u32 s26, $0x1;
	_ =	strace $0x80000046;
	[dreg:$0x1] =	wrdreg $0xFFFFFFFF  }
0xa8: {  	s28 =	simm.s32 $_size_execute0_lowered;
	s4 =	sadd.s32 s4, s6;
	[dreg:$0x0] =	wrdreg $0x0  }
0xa9: {  	s6 =	sshll.u32 s28, $0x1;
	[dreg:$0x2] =	wrdreg s4  }
0xaa: {  	[dreg:$0x3] =	wrdreg s6  }
0xab: {  	[dreg:$0x4] =	wrdreg $0xC0  }
0xac: {  	_ =	task [dreg:s8], $0x5FFFF  }
0xad: {  	[dreg:$0x1] =	wrdreg $0xFFFFFFFF  }
0xae: {  	[dreg:$0x0] =	wrdreg $0x60  }
0xaf: {  	[dreg:$0x2] =	wrdreg s2  }
0xb0: {  	[dreg:$0x3] =	wrdreg s24  }
0xb1: {  	[dreg:$0x4] =	wrdreg s18  }
0xb2: {  	[dreg:$0x5] =	wrdreg $0x9  }
0xb3: {  	_ =	task.clear_ibuf [dreg:s8], $0x6FFFF;
	_ =	strace $0x90000046  }
0xb4: {  	s29 =	simm.s32 $0x9;
	_ =	strace $0x80000048  }
0xb5: {  	_ =	swait.ge [sflag:s29], $0x1  }
0xb6: {  	[sflag:s29] =	ssyncadd.s32 $0xFFFFFFFF  }
0xb7: {  	_ =	strace $0x90000048  }
0xb8: {  	_ =	sfence  }
0xb9: {  	s30 =	sld [smem:$0x0];
	_ =	sdelay $0x2  }
0xba: {  	s31 =	sshll.u32 s1, $0xD;
	s1 =	sshrl.u32 s1, $0x2  }
0xbb: {  	s3 =	sand.u32 $0x4000, s31;
	s1 =	sadd.s32 s1, s30  }
0xbc: {  	s0 =	sor.u32 s3, s0;
	s1 =	sshll.u32 s1, $0x11  }
0xbd: {  	s0 =	sor.u32 s1, s0  }
0xbe: {  	s0 =	sadd.s32 $0x8F2B, s0  }
0xbf: {  	[sflag:s0] =	ssyncadd.remote.s32 $0x1  }
0xc0: {  	_ =	sfence.sel $0xFFFF  }
0xc1: {  	[dreg:$0x0] =	wrdreg $0xFFFFFFFF;
	(pc) =	sbr.abs _section_cstart, $3  }
0xc2: {  	[dreg:$0x1] =	wrdreg $0xFFFFFFFF  }
0xc3: {  	_ =	task.clear_ibuf [dreg:s8], $0x2FFFF;
	_ =	strace $0x9FFFFFFF  }
0xc4: {  	(tm) =	ssettm $0x7FFFFFFF  }
0xc5: {  	_ =	shalt  }
tec
execute0_lowered:
.L_overlay_start_1:
0x0: {  	(tag) =	ssettag $0x1  }
0x1: {  	s1 =	srdreg.scid;
	s5 =	rddreg [dreg:$0x1]  }
0x2: {  	s0 =	stileid.u32;
	s6 =	rddreg [dreg:$0x2];
	s2 =	sand.u32 $0x1, s1  }
0x3: {  	s14 =	simm.s32 $0x880;
	s3 =	sshll.u32 s0, $0x7;
	s4 =	sshll.u32 s2, $0x6  }
0x4: {  	s15 =	simm.s32 $0x1080;
	s12 =	sshll.u32 s0, $0x9;
	s4 =	sor.u32 s4, s3  }
0x5: {  	s1 =	rddreg [dreg:$0x0];
	s3 =	sor.u32 s12, s4;
	s4 =	sshll.u32 s4, $0x7  }
0x6: {  	s7 =	sand.u32 $0x19C0, s3;
	s3 =	simm.s32 $0x0;
	s4 =	sadd.s32 s6, s4  }
0x7: {  	s16 =	simm.s32 $0x1880;
	[smem:$0x7FF] =	sst s3;
	s13 =	sadd.s32 $0x1000, s4  }
0x8: {  	s17 =	simm.s32 $0x2080;
	_ =	strace $0x80000047;
	[dreg:$0x5] =	wrdreg s13  }
0x9: {  	s18 =	simm.s32 $0x2880;
	s19 =	simm.s32 $0x3080;
	[dreg:$0x6] =	wrdreg s14  }
0xa: {  	s20 =	simm.s32 $0x3880;
	s21 =	simm.s32 $0x4080;
	[dreg:$0x7] =	wrdreg s15  }
0xb: {  	s23 =	simm.s32 $0x4880;
	s24 =	simm.s32 $0x5080;
	[dreg:$0x8] =	wrdreg s16  }
0xc: {  	s25 =	simm.s32 $0x5880;
	s8 =	simm.s32 $0x6080;
	[dreg:$0x9] =	wrdreg s17  }
0xd: {  	s9 =	simm.s32 $0x6880;
	s26 =	simm.s32 $0x7080;
	[dreg:$0xa] =	wrdreg s18  }
0xe: {  	s10 =	simm.s32 $0x80;
	s28 =	simm.s32 $0xF880;
	[dreg:$0xb] =	wrdreg s19  }
0xf: {  	s29 =	simm.s32 $0x1;
	s2 =	ssub.s32 $0x2, s2;
	[dreg:$0xc] =	wrdreg s20  }
0x10: {  	s30 =	simm.s32 $0x2;
	s22 =	sshrl.u32 s2, $0x1;
	[dreg:$0xd] =	wrdreg s21  }
0x11: {  	s31 =	simm.s32 $0x3;
	s2 =	ssub.s32 s2, s22;
	[dreg:$0xe] =	wrdreg s23  }
0x12: {  	s12 =	simm.s32 $0x8080;
	s22 =	simm.s32 $0xD080;
	[dreg:$0xf] =	wrdreg s24  }
0x13: {  	s6 =	sadd.s32 $0x200, s1;
	s7 =	sshrl.u32 s7, $0x3;
	[dreg:$0x10] =	wrdreg s25  }
0x14: {  	s5 =	sadd.s32 s7, s5;
	s7 =	sadd.s32 $0x300, s1;
	[dreg:$0x11] =	wrdreg s8  }
0x15: {  	s8 =	smax.u32 s2, $0x1;
	[dreg:$0x12] =	wrdreg s9;
	s9 =	simm.s32 $0x5  }
0x16: {  	[dreg:$0x13] =	wrdreg s26;
	s13 =	simm.s32 $0x8880;
	s14 =	simm.s32 $0x9080  }
0x17: {  	s15 =	simm.s32 $0x9880;
	s16 =	simm.s32 $0xA080;
	s17 =	simm.s32 $0xA880  }
0x18: {  	s18 =	simm.s32 $0xB080;
	s19 =	simm.s32 $0xB880;
	s20 =	simm.s32 $0xC080  }
0x19: {  	v2 =	vlaneseq.u32;
	s21 =	simm.s32 $0xC880;
	s23 =	simm.s32 $0xD880;
	s24 =	simm.s32 $0xE080  }
0x1a: {  	vm0 =	vmmov $0xffff;
	v1 =	vshrl.u32 v2, $0x3;
	s25 =	simm.s32 $0xE880;
	s26 =	simm.s32 $0xF080;
	s5 =	sadd.s32 $0x1600, s5  }
0x1b: {  	v0 =	vand.u32 $0x7, v2;
	v2 =	vor.u32 $0x8, v2;
	v1 =	vmul.u32 $0x8, v1;
	s2 =	simm.s32 $0x4;
	[dreg:$0x4] =	wrdreg s5;
	s5 =	sadd.s32 $0x100, s1  }
.LBB2_1:
0x1c: {  	s0 =	rddreg [dreg:$0x4]  }
0x1d: {  	[tilespmem:s3], [sflag:$0x5] =	stream.linear.gather [hbm4b:s0+s3], $0x40, $0x38;
	[tilespmem:$0x10080] =	vst v63  }
0x1e: {  	_ =	swait.ge [sflag:s9], $0x40  }
0x1f: {  	[sflag:s9] =	ssyncset.done $0x0  }
0x20: {  	[sflag:s9] =	ssyncadd.s32 $0xFFFFFFC0  }
0x21: {  	v3 =	vld [tilespmem:$0x0];
	_ =	sdelay $0x4  }
0x22: {  	v4 =	vshll.u32 v3, $0x3  }
0x23: {  	v3 =	vand.u32 $0x7, v3;
	v4 =	vand.u32 $0xFFFFFFC0, v4  }
0x24: {  	v3 =	vor.u32 v3, v4  }
0x25: {  	v4 =	vperm.xlane v3, v0;
	_ =	sdelay $0x1  }
0x26: {  	v4 =	vadd.s32 v1, v4;
	_ =	sdelay $0x4  }
0x27: {  	[tilespmem:s10], [sflag:$0x1] =	stream.indirect_vreg.gather [hbm4b:s1+s3], $0x80, v4, vm0, $0xb8;
	[tilespmem:$0x10080] =	vst v63  }
0x28: {  	s0 =	rddreg [dreg:$0x6];
	v3 =	vperm.xlane v3, v2  }
0x29: {  	[tilespmem:s0], [sflag:$0x1] =	stream.indirect_vreg.gather [hbm4b:s5+s3], $0x80, v4, vm0, $0xb8;
	[tilespmem:$0x10080] =	vst v63  }
0x2a: {  	s11 =	rddreg [dreg:$0x7];
	v3 =	vadd.s32 v1, v3  }
0x2b: {  	[tilespmem:s11], [sflag:$0x1] =	stream.indirect_vreg.gather [hbm4b:s6+s3], $0x80, v4, vm0, $0xb8;
	[tilespmem:$0x10080] =	vst v63  }
0x2c: {  	s0 =	rddreg [dreg:$0x8]  }
0x2d: {  	[tilespmem:s0], [sflag:$0x1] =	stream.indirect_vreg.gather [hbm4b:s7+s3], $0x80, v4, vm0, $0xb8;
	[tilespmem:$0x10080] =	vst v63  }
0x2e: {  	s11 =	rddreg [dreg:$0x9]  }
0x2f: {  	[tilespmem:s11], [sflag:$0x1] =	stream.indirect_vreg.gather [hbm4b:s1+s3], $0x80, v3, vm0, $0xb8;
	[tilespmem:$0x10080] =	vst v63  }
0x30: {  	s0 =	rddreg [dreg:$0xa]  }
0x31: {  	[tilespmem:s0], [sflag:$0x1] =	stream.indirect_vreg.gather [hbm4b:s5+s3], $0x80, v3, vm0, $0xb8;
	[tilespmem:$0x10080] =	vst v63  }
0x32: {  	s11 =	rddreg [dreg:$0xb]  }
0x33: {  	[tilespmem:s11], [sflag:$0x1] =	stream.indirect_vreg.gather [hbm4b:s6+s3], $0x80, v3, vm0, $0xb8;
	[tilespmem:$0x10080] =	vst v63  }
0x34: {  	s0 =	rddreg [dreg:$0xc]  }
0x35: {  	[tilespmem:s0], [sflag:$0x1] =	stream.indirect_vreg.gather [hbm4b:s7+s3], $0x80, v3, vm0, $0xb8;
	[tilespmem:$0x10080] =	vst v63  }
0x36: {  	v3 =	vld [tilespmem:$0x10];
	_ =	sdelay $0x4  }
0x37: {  	v61 =	vshll.u32 v3, $0x3  }
0x38: {  	v3 =	vand.u32 $0x7, v3;
	v4 =	vand.u32 $0xFFFFFFC0, v61  }
0x39: {  	v3 =	vor.u32 v3, v4  }
0x3a: {  	v4 =	vperm.xlane v3, v0;
	_ =	sdelay $0x1  }
0x3b: {  	v4 =	vadd.s32 v1, v4;
	_ =	sdelay $0x3  }
0x3c: {  	s0 =	rddreg [dreg:$0xd]  }
0x3d: {  	[tilespmem:s0], [sflag:$0x1] =	stream.indirect_vreg.gather [hbm4b:s1+s3], $0x80, v4, vm0, $0xb8;
	[tilespmem:$0x10080] =	vst v63  }
0x3e: {  	s11 =	rddreg [dreg:$0xe];
	v3 =	vperm.xlane v3, v2  }
0x3f: {  	[tilespmem:s11], [sflag:$0x1] =	stream.indirect_vreg.gather [hbm4b:s5+s3], $0x80, v4, vm0, $0xb8;
	[tilespmem:$0x10080] =	vst v63  }
0x40: {  	v3 =	vadd.s32 v1, v3;
	s0 =	rddreg [dreg:$0xf]  }
0x41: {  	[tilespmem:s0], [sflag:$0x1] =	stream.indirect_vreg.gather [hbm4b:s6+s3], $0x80, v4, vm0, $0xb8;
	[tilespmem:$0x10080] =	vst v63  }
0x42: {  	s11 =	rddreg [dreg:$0x10]  }
0x43: {  	[tilespmem:s11], [sflag:$0x1] =	stream.indirect_vreg.gather [hbm4b:s7+s3], $0x80, v4, vm0, $0xb8;
	[tilespmem:$0x10080] =	vst v63  }
0x44: {  	s0 =	rddreg [dreg:$0x11]  }
0x45: {  	[tilespmem:s0], [sflag:$0x1] =	stream.indirect_vreg.gather [hbm4b:s1+s3], $0x80, v3, vm0, $0xb8;
	[tilespmem:$0x10080] =	vst v63  }
0x46: {  	s11 =	rddreg [dreg:$0x12]  }
0x47: {  	[tilespmem:s11], [sflag:$0x1] =	stream.indirect_vreg.gather [hbm4b:s5+s3], $0x80, v3, vm0, $0xb8;
	[tilespmem:$0x10080] =	vst v63  }
0x48: {  	s0 =	rddreg [dreg:$0x13]  }
0x49: {  	[tilespmem:s0], [sflag:$0x1] =	stream.indirect_vreg.gather [hbm4b:s6+s3], $0x80, v3, vm0, $0xb8;
	[tilespmem:$0x10080] =	vst v63  }
0x4a: {  	s11 =	simm.s32 $0x7880  }
0x4b: {  	[tilespmem:s11], [sflag:$0x1] =	stream.indirect_vreg.gather [hbm4b:s7+s3], $0x80, v3, vm0, $0xb8;
	[tilespmem:$0x10080] =	vst v63  }
0x4c: {  	v3 =	vld [tilespmem:$0x20];
	_ =	sdelay $0x4  }
0x4d: {  	v62 =	vshll.u32 v3, $0x3  }
0x4e: {  	v3 =	vand.u32 $0x7, v3;
	v4 =	vand.u32 $0xFFFFFFC0, v62  }
0x4f: {  	v3 =	vor.u32 v3, v4  }
0x50: {  	v4 =	vperm.xlane v3, v0;
	_ =	sdelay $0x1  }
0x51: {  	v4 =	vadd.s32 v1, v4;
	_ =	sdelay $0x4  }
0x52: {  	[tilespmem:s12], [sflag:$0x2] =	stream.indirect_vreg.gather [hbm4b:s1+s3], $0x80, v4, vm0, $0xb8;
	[tilespmem:$0x10080] =	vst v63  }
0x53: {  	v3 =	vperm.xlane v3, v2  }
0x54: {  	[tilespmem:s13], [sflag:$0x2] =	stream.indirect_vreg.gather [hbm4b:s5+s3], $0x80, v4, vm0, $0xb8;
	[tilespmem:$0x10080] =	vst v63  }
0x55: {  	v3 =	vadd.s32 v1, v3  }
0x56: {  	[tilespmem:s14], [sflag:$0x2] =	stream.indirect_vreg.gather [hbm4b:s6+s3], $0x80, v4, vm0, $0xb8;
	[tilespmem:$0x10080] =	vst v63  }
0x57: {  	_ = 	snop  }
0x58: {  	[tilespmem:s15], [sflag:$0x2] =	stream.indirect_vreg.gather [hbm4b:s7+s3], $0x80, v4, vm0, $0xb8;
	[tilespmem:$0x10080] =	vst v63  }
0x59: {  	_ = 	snop  }
0x5a: {  	[tilespmem:s16], [sflag:$0x2] =	stream.indirect_vreg.gather [hbm4b:s1+s3], $0x80, v3, vm0, $0xb8;
	[tilespmem:$0x10080] =	vst v63  }
0x5b: {  	_ = 	snop  }
0x5c: {  	[tilespmem:s17], [sflag:$0x2] =	stream.indirect_vreg.gather [hbm4b:s5+s3], $0x80, v3, vm0, $0xb8;
	[tilespmem:$0x10080] =	vst v63  }
0x5d: {  	_ = 	snop  }
0x5e: {  	[tilespmem:s18], [sflag:$0x2] =	stream.indirect_vreg.gather [hbm4b:s6+s3], $0x80, v3, vm0, $0xb8;
	[tilespmem:$0x10080] =	vst v63  }
0x5f: {  	_ = 	snop  }
0x60: {  	[tilespmem:s19], [sflag:$0x2] =	stream.indirect_vreg.gather [hbm4b:s7+s3], $0x80, v3, vm0, $0xb8;
	[tilespmem:$0x10080] =	vst v63  }
0x61: {  	v3 =	vld [tilespmem:$0x30];
	_ =	sdelay $0x4  }
0x62: {  	v63 =	vshll.u32 v3, $0x3  }
0x63: {  	v3 =	vand.u32 $0x7, v3;
	v4 =	vand.u32 $0xFFFFFFC0, v63  }
0x64: {  	v3 =	vor.u32 v3, v4  }
0x65: {  	v4 =	vperm.xlane v3, v0;
	_ =	sdelay $0x1  }
0x66: {  	v4 =	vadd.s32 v1, v4;
	_ =	sdelay $0x4  }
0x67: {  	[tilespmem:s20], [sflag:$0x2] =	stream.indirect_vreg.gather [hbm4b:s1+s3], $0x80, v4, vm0, $0xb8;
	[tilespmem:$0x10080] =	vst v63  }
0x68: {  	v3 =	vperm.xlane v3, v2  }
0x69: {  	[tilespmem:s21], [sflag:$0x2] =	stream.indirect_vreg.gather [hbm4b:s5+s3], $0x80, v4, vm0, $0xb8;
	[tilespmem:$0x10080] =	vst v63  }
0x6a: {  	v3 =	vadd.s32 v1, v3  }
0x6b: {  	[tilespmem:s22], [sflag:$0x2] =	stream.indirect_vreg.gather [hbm4b:s6+s3], $0x80, v4, vm0, $0xb8;
	[tilespmem:$0x10080] =	vst v63  }
0x6c: {  	_ = 	snop  }
0x6d: {  	[tilespmem:s23], [sflag:$0x2] =	stream.indirect_vreg.gather [hbm4b:s7+s3], $0x80, v4, vm0, $0xb8;
	[tilespmem:$0x10080] =	vst v63  }
0x6e: {  	_ = 	snop  }
0x6f: {  	[tilespmem:s24], [sflag:$0x2] =	stream.indirect_vreg.gather [hbm4b:s1+s3], $0x80, v3, vm0, $0xb8;
	[tilespmem:$0x10080] =	vst v63  }
0x70: {  	_ = 	snop  }
0x71: {  	[tilespmem:s25], [sflag:$0x2] =	stream.indirect_vreg.gather [hbm4b:s5+s3], $0x80, v3, vm0, $0xb8;
	[tilespmem:$0x10080] =	vst v63  }
0x72: {  	_ = 	snop  }
0x73: {  	[tilespmem:s26], [sflag:$0x2] =	stream.indirect_vreg.gather [hbm4b:s6+s3], $0x80, v3, vm0, $0xb8;
	[tilespmem:$0x10080] =	vst v63  }
0x74: {  	_ = 	snop  }
0x75: {  	[tilespmem:s28], [sflag:$0x2] =	stream.indirect_vreg.gather [hbm4b:s7+s3], $0x80, v3, vm0, $0xb8;
	[tilespmem:$0x10080] =	vst v63  }
0x76: {  	_ =	swait.ge [sflag:s29], $0x8000  }
0x77: {  	[sflag:s29] =	ssyncset.done $0x0  }
0x78: {  	[sflag:s29] =	ssyncadd.s32 $0xFFFF8000  }
0x79: {  	[hbm4b:s4+s3] =	stream.linear.scatter [tilespmem:s10], [sflag:$0x3], $0x8000, $0x38;
	[tilespmem:$0x10080] =	vst v63  }
0x7a: {  	_ =	swait.ge [sflag:s30], $0x8000  }
0x7b: {  	[sflag:s30] =	ssyncset.done $0x0  }
0x7c: {  	s11 =	rddreg [dreg:$0x5];
	[sflag:s30] =	ssyncadd.s32 $0xFFFF8000  }
0x7d: {  	[hbm4b:s11+s3] =	stream.linear.scatter [tilespmem:s12], [sflag:$0x4], $0x8000, $0x38;
	[tilespmem:$0x10080] =	vst v63  }
0x7e: {  	p0 =	sne.s32 s8, $0x1;
	_ =	swait.ge [sflag:s31], $0x8000  }
.Ltmp0:
0x7f: {  	[sflag:s31] =	ssyncset.done $0x0;
	(pc) =	sbr.rel @p0 .LBB2_1-.Ltmp0, $4  }
0x80: {  	[sflag:s31] =	ssyncadd.s32 $0xFFFF8000  }
0x81: {  	_ =	swait.ge [sflag:s2], $0x8000  }
0x82: {  	[sflag:s2] =	ssyncset.done $0x0  }
0x83: {  	s8 =	sadd.s32 $0xFFFFFFFF, s8;
	[sflag:s2] =	ssyncadd.s32 $0xFFFF8000  }
0x84: {  	_ =	sfence.sel $0x180000  }
0x85: {  	[bflag:$0x0] =	sbarrier.arrive $0xFFFF  }
0x86: {  	_ =	strace $0x90000047  }
0x87: {  	s0 =	stileid.u32;
	[bflag:$0x2] =	sbarrier.arrive $0xFFFF  }
0x88: {  	p0 =	sne.s32 s0, $0x0;
	s0 =	rddreg [dreg:$0x3]  }
0x89: {  	s0 =	sadd.s32 @!p0 $0x100000, s0  }
0x8a: {  	[sflag:s0] =	ssyncadd.tile.s32 @!p0 $0x1;
	_ =	shalt  }
.Lfunc_end2:
_tile_overlayer_lowered:
.L_overlay_start_2:
0x8b: {  	(tag) =	ssettag $0x2  }
0x8c: {  	s0 =	rddreg [dreg:$0x0];
	s2 =	stileid.u32  }
0x8d: {  	s1 =	rddreg [dreg:$0x1];
	p0 =	sne.s32 s2, $0x0  }
0x8e: {  	s3 =	rddreg [dreg:$0x2];
	[bflag:$0x3] =	sbarrier.arrive $0xFFFF;
	s2 =	simm.s32 @!p0 $0x1C05  }
0x8f: {  	[timem:s3], [sflag:s2] =	dma.local @!p0 [hbm:s0], s1  }
0x90: {  	s0 =	simm.s32 @!p0 $0x5  }
0x91: {  	_ =	swait.ge @!p0 [sflag:s0], s1  }
0x92: {  	s1 =	ssub.s32 @!p0 $0x0, s1;
	[sflag:s0] =	ssyncset.done @!p0 $0x0  }
0x93: {  	[sflag:s0] =	ssyncadd.s32 @!p0 s1  }
0x94: {  	[bflag:$0x3] =	sbarrier.arrive $0xFFFF  }
0x95: {  	_ =	shalt  }

// kernel: kernel.9.cloned.1.call-start
scs
__scs_entry_jumppad:
0x0: {  	(pc) =	sbr.rel $0x88, $3  }
0x1: {  	(tag) =	ssettag $0x0;
	lr =	simm.s32 $0x1  }
0x2: {  	[smem:$0x3F9A] =	sst lr;
	_ =	strace $0xD0000000  }
0x3: {  	_ = 	snop  }
0x4: {  	_ = 	snop  }
0x5: {  	_ = 	snop  }
0x6: {  	_ = 	snop  }
0x7: {  	_ = 	snop  }
__scs_overlays_trampoline_lowered:
0x8: {  	[smem:$0x3FA9] =	sst s0  }
0x9: {  	[smem:$0x3FAA] =	sst s1  }
0xa: {  	[smem:$0x3FAB] =	sst s2  }
0xb: {  	[smem:$0x3FAC] =	sst s3  }
0xc: {  	[smem:$0x3FAD] =	sst s4  }
0xd: {  	[smem:$0x3FAE] =	sst s5  }
0xe: {  	[smem:$0x3FAF] =	sst s6  }
0xf: {  	[smem:$0x3FB0] =	sst s7  }
0x10: {  	[smem:$0x3FB1] =	sst s8  }
0x11: {  	[smem:$0x3FB2] =	sst s9;
	s0 =	simm.s32 @!p0 $0x0  }
0x12: {  	s1 =	sld [smem:$0x3F98];
	s0 =	simm.s32 @p0 $0x1  }
0x13: {  	[smem:$0x3FB3] =	sst s0;
	s0 =	simm.s32 @!p1 $0x0  }
0x14: {  	s2 =	sld [smem:$0x3F97];
	s0 =	simm.s32 @p1 $0x1  }
0x15: {  	[smem:$0x3FB4] =	sst s0;
	s0 =	simm.s32 @!p2 $0x0  }
0x16: {  	s3 =	sld [smem:$0x3FDB];
	s0 =	simm.s32 @p2 $0x1  }
0x17: {  	s4 =	simm.s32 $0x1BF5;
	[smem:$0x3FB6] =	sst s0  }
0x18: {  	s0 =	sld [smem:$0x3F99];
	_ =	swait.ge [sflag:s4], $0x0  }
0x19: {  	s7 =	sld [smem:$0x3F9A]  }
0x1a: {  	s8 =	sadd.s32 $0xFFFFE003, lr  }
0x1b: {  	s9 =	sadd.s32 $0xFFFFFEF7, lr;
	s5 =	simm.s32 $0xFFFFFFFF;
	p2 =	slt.u32 s8, $0xFFFFF086  }
0x1c: {  	p1 =	slt.u32 s9, $0xF7A;
	s5 =	simm.s32 @!p2 $0x0  }
0x1d: {  	s5 =	simm.s32 @p1 $0x1;
	p0 =	seq.s32 s7, s2  }
0x1e: {  	s7 =	smul.u32 @!p0 $0xF7A, s2;
	p2 =	seq.s32 @!p0 s5, $0x0  }
0x1f: {  	s9 =	smul.u32 $0xF7A, s1;
	s8 =	simm.s32 @!p0 $0x1BF5;
	p2 =	por !p2, p0  }
0x20: {  	[sflag:s8] =	ssyncset.s32 @!p0 $0xFFFFF086;
	s6 =	sadd.s32 @!p0 s3, s7;
	s7 =	simm.s32 @!p0 $0x108  }
0x21: {  	s3 =	sadd.s32 s3, s9;
	s6 =	sadd.s32 @!p0 $0x88, s6;
	s7 =	simm.s32 @p2 $0x1082  }
0x22: {  	[simem:s7], [sflag:s8] =	dma.local @!p0 [hbm:s6], $0xF7A  }
0x23: {  	s9 =	sor.u32 $0xD0000000, s2;
	s6 =	simm.s32 $0x108;
	_ =	swait.ge @!p0 [sflag:s8], $0x0  }
0x24: {  	s3 =	sadd.s32 $0x88, s3;
	s6 =	simm.s32 @!p1 $0x1082;
	[sflag:s4] =	ssyncset.s32 $0xFFFFF086  }
0x25: {  	[simem:s6], [sflag:s4] =	dma.local [hbm:s3], $0xF7A  }
0x26: {  	[smem:$0x3F9A] =	sst s1;
	(tag) =	ssettag s2;
	_ =	strace s9  }
0x27: {  	s1 =	sld [smem:$0x3FAA]  }
0x28: {  	s2 =	sld [smem:$0x3FAB]  }
0x29: {  	s4 =	sld [smem:$0x3FAD]  }
0x2a: {  	p0 =	seq.s32 s5, $0x0;
	s5 =	sld [smem:$0x3FAE]  }
0x2b: {  	s6 =	sld [smem:$0x3FAF]  }
0x2c: {  	s7 =	sld [smem:$0x3FB0]  }
0x2d: {  	s3 =	simm.s32 $0x108;
	s8 =	sld [smem:$0x3FB1]  }
0x2e: {  	s3 =	simm.s32 @!p0 $0x1082;
	s9 =	sld [smem:$0x3FB2]  }
0x2f: {  	lr =	sadd.s32 s0, s3;
	s0 =	sld [smem:$0x3FA9]  }
0x30: {  	s3 =	sld [smem:$0x3FAC]  }
0x31: {  	[smem:$0x3FB5] =	sst s10  }
0x32: {  	s10 =	sld [smem:$0x3FB3];
	_ =	sdelay $0x3  }
0x33: {  	p0 =	seq.s32 s10, $0x1;
	s10 =	sld [smem:$0x3FB5];
	_ =	sdelay $0x3  }
0x34: {  	[smem:$0x3FB5] =	sst s10  }
0x35: {  	s10 =	sld [smem:$0x3FB4];
	_ =	sdelay $0x3  }
0x36: {  	p1 =	seq.s32 s10, $0x1;
	s10 =	sld [smem:$0x3FB5];
	_ =	sdelay $0x3  }
0x37: {  	[smem:$0x3FB5] =	sst s10  }
0x38: {  	s10 =	sld [smem:$0x3FB6]  }
0x39: {  	_ = 	snop;
	(pc) =	sbr.ind lr, $3  }
0x3a: {  	_ = 	snop  }
0x3b: {  	_ = 	snop  }
0x3c: {  	p2 =	seq.s32 s10, $0x1;
	s10 =	sld [smem:$0x3FB5]  }
0x3d: {  	_ =	shalt  }
0x3e: {  	_ =	shalt  }
0x3f: {  	_ =	shalt  }
0x40: {  	_ =	shalt  }
0x41: {  	_ =	shalt  }
0x42: {  	_ =	shalt  }
0x43: {  	_ =	shalt  }
0x44: {  	_ =	shalt  }
0x45: {  	_ =	shalt  }
0x46: {  	_ =	shalt  }
0x47: {  	_ =	shalt  }
0x48: {  	_ =	shalt  }
0x49: {  	_ =	shalt  }
0x4a: {  	_ =	shalt  }
0x4b: {  	_ =	shalt  }
0x4c: {  	_ =	shalt  }
0x4d: {  	_ =	shalt  }
0x4e: {  	_ =	shalt  }
0x4f: {  	_ =	shalt  }
0x50: {  	_ =	shalt  }
0x51: {  	_ =	shalt  }
0x52: {  	_ =	shalt  }
0x53: {  	_ =	shalt  }
0x54: {  	_ =	shalt  }
0x55: {  	_ =	shalt  }
0x56: {  	_ =	shalt  }
0x57: {  	_ =	shalt  }
0x58: {  	_ =	shalt  }
0x59: {  	_ =	shalt  }
0x5a: {  	_ =	shalt  }
0x5b: {  	_ =	shalt  }
0x5c: {  	_ =	shalt  }
0x5d: {  	_ =	shalt  }
0x5e: {  	_ =	shalt  }
0x5f: {  	_ =	shalt  }
0x60: {  	_ =	shalt  }
0x61: {  	_ =	shalt  }
0x62: {  	_ =	shalt  }
0x63: {  	_ =	shalt  }
0x64: {  	_ =	shalt  }
0x65: {  	_ =	shalt  }
0x66: {  	_ =	shalt  }
0x67: {  	_ =	shalt  }
0x68: {  	_ =	shalt  }
0x69: {  	_ =	shalt  }
0x6a: {  	_ =	shalt  }
0x6b: {  	_ =	shalt  }
0x6c: {  	_ =	shalt  }
0x6d: {  	_ =	shalt  }
0x6e: {  	_ =	shalt  }
0x6f: {  	_ =	shalt  }
0x70: {  	_ =	shalt  }
0x71: {  	_ =	shalt  }
0x72: {  	_ =	shalt  }
0x73: {  	_ =	shalt  }
0x74: {  	_ =	shalt  }
0x75: {  	_ =	shalt  }
0x76: {  	_ =	shalt  }
0x77: {  	_ =	shalt  }
0x78: {  	_ =	shalt  }
0x79: {  	_ =	shalt  }
0x7a: {  	_ =	shalt  }
0x7b: {  	_ =	shalt  }
0x7c: {  	_ =	shalt  }
0x7d: {  	_ =	shalt  }
0x7e: {  	_ =	shalt  }
0x7f: {  	_ =	shalt  }
0x80: {  	_ =	shalt  }
0x81: {  	_ =	shalt  }
0x82: {  	_ =	shalt  }
0x83: {  	_ =	shalt  }
0x84: {  	_ =	shalt  }
0x85: {  	_ =	shalt  }
0x86: {  	_ =	shalt  }
0x87: {  	_ =	shalt  }
.Lfunc_end0:
.L_simem_size_0:
called_computation.1_lowered:
.L_overlay_start_0:
0x88: {  	s2 =	sld [smem:$0x3FD9]  }
0x89: {  	s3 =	sld [smem:$0x3FFE];
	_ =	sdelay $0x1  }
0x8a: {  	s1 =	srdreg.scid  }
0x8b: {  	s0 =	sand.u32 $0x1, s1  }
0x8c: {  	s17 =	sshll.u32 s0, $0xA;
	s2 =	sadd.s32 s3, s2  }
0x8d: {  	s2 =	sadd.s32 s2, s17  }
0x8e: {  	[smem:$0x3FC1] =	sst s2  }
0x8f: {  	_ = 	snop  }
0x90: {  	s18 =	sld [smem:$0x3FC7];
	(tm) =	ssettm $0x1  }
0x91: {  	s19 =	sld [smem:$0x3FFB];
	_ =	sdelay $0x3  }
0x92: {  	_ =	strace s19  }
0x93: {  	s2 =	sld [smem:$0x3FFC];
	_ =	sdelay $0x3  }
0x94: {  	_ =	strace s2  }
0x95: {  	s2 =	sld [smem:$0x3FFD];
	_ =	sdelay $0x3  }
0x96: {  	_ =	strace s2  }
0x97: {  	_ =	strace $0x8FFFFFFF  }
0x98: {  	s20 =	sld [smem:$0x3FDB];
	_ =	sdelay $0x1  }
0x99: {  	s4 =	simm.s32 $_scs_section_size  }
0x9a: {  	s5 =	simm.s32 $_size__tile_overlayer_lowered;
	s6 =	simm.s32 $_tile_overlayer_lowered  }
0x9b: {  	s7 =	simm.s32 $0x1BFF;
	s21 =	sshll.u32 s6, $0x1;
	s4 =	sadd.s32 s4, s20  }
0x9c: {  	s22 =	simm.s32 $0x0;
	s5 =	sshll.u32 s5, $0x1;
	s6 =	sadd.s32 s21, s4  }
0x9d: {  	[timem:s22], [sflag:s7] =	dma.local [hbm:s6], s5  }
0x9e: {  	_ =	swait.ge [sflag:s7], s5  }
0x9f: {  	s5 =	ssub.s32 $0x0, s5;
	[sflag:s7] =	ssyncset.done $0x0  }
0xa0: {  	[sflag:s7] =	ssyncadd.s32 s5;
	_ =	sdelay $0x1  }
0xa1: {  	s23 =	simm.s32 $0x1B8B  }
0xa2: {  	_ =	swait.ge [sflag:s23], $0x1  }
0xa3: {  	[sflag:s23] =	ssyncset.done $0x0  }
0xa4: {  	[sflag:s23] =	ssyncadd.s32 $0xFFFFFFFF  }
0xa5: {  	s5 =	sld [smem:$0x0]  }
0xa6: {  	s6 =	sand.u32 $0xFFFFFFFE, s1  }
0xa7: {  	p0 =	sne.s32 s1, s6  }
0xa8: {  	s6 =	sshll.u32 @p0 s6, $0xE  }
0xa9: {  	s6 =	sadd.s32 @p0 $0x11B8D, s6;
	s7 =	sshll.u32 @p0 s5, $0x11  }
0xaa: {  	s6 =	sor.u32 @p0 s7, s6  }
0xab: {  	[sflag:s6] =	ssyncadd.remote.s32 @p0 $0x1;
	_ =	sdelay $0x1  }
0xac: {  	s6 =	simm.s32 @p0 $0x1B8D  }
0xad: {  	_ =	swait.eq @p0 [sflag:s6], $0x1  }
0xae: {  	[sflag:s6] =	ssyncadd.s32 @p0 $0xFFFFFFFF  }
0xaf: {  	s7 =	sshll.u32 @!p0 s1, $0xE  }
0xb0: {  	s7 =	sor.u32 @!p0 $0x4000, s7;
	s6 =	simm.s32 @!p0 $0x1B8D  }
0xb1: {  	s5 =	sshll.u32 @!p0 s5, $0x11;
	s7 =	sadd.s32 @!p0 $0x11B8D, s7;
	_ =	swait.eq @!p0 [sflag:s6], $0x1  }
0xb2: {  	s5 =	sor.u32 @!p0 s5, s7;
	[sflag:s6] =	ssyncadd.s32 @!p0 $0xFFFFFFFF  }
0xb3: {  	s25 =	simm.s32 $0x1B8E;
	s24 =	sld [smem:$0x3FFE];
	[sflag:s5] =	ssyncadd.remote.s32 @!p0 $0x1  }
0xb4: {  	s26 =	simm.s32 $execute0_lowered;
	[smem:$0x3FD2] =	sst s25  }
0xb5: {  	s6 =	sshll.u32 s26, $0x1;
	_ =	strace $0x80000049;
	[dreg:$0x1] =	wrdreg $0xFFFFFFFF  }
0xb6: {  	s28 =	simm.s32 $_size_execute0_lowered;
	s4 =	sadd.s32 s4, s6;
	[dreg:$0x0] =	wrdreg $0x0  }
0xb7: {  	s6 =	sshll.u32 s28, $0x1;
	[dreg:$0x2] =	wrdreg s4  }
0xb8: {  	[dreg:$0x3] =	wrdreg s6  }
0xb9: {  	[dreg:$0x4] =	wrdreg $0xC0  }
0xba: {  	_ =	task [dreg:s22], $0x5FFFF  }
0xbb: {  	[dreg:$0x1] =	wrdreg $0xFFFFFFFF  }
0xbc: {  	[dreg:$0x0] =	wrdreg $0x60  }
0xbd: {  	[dreg:$0x2] =	wrdreg s18  }
0xbe: {  	[dreg:$0x3] =	wrdreg s24  }
0xbf: {  	[dreg:$0x4] =	wrdreg $0xA  }
0xc0: {  	_ =	task.clear_ibuf [dreg:s22], $0x5FFFF;
	_ =	strace $0x90000049  }
0xc1: {  	s29 =	simm.s32 $0xA;
	_ =	strace $0x8000004B  }
0xc2: {  	_ =	swait.ge [sflag:s29], $0x1  }
0xc3: {  	[sflag:s29] =	ssyncadd.s32 $0xFFFFFFFF  }
0xc4: {  	_ =	strace $0x9000004B  }
0xc5: {  	_ =	sfence  }
0xc6: {  	s30 =	sld [smem:$0x0];
	_ =	sdelay $0x2  }
0xc7: {  	s31 =	sshll.u32 s1, $0xD;
	s1 =	sshrl.u32 s1, $0x2  }
0xc8: {  	s4 =	sand.u32 $0x4000, s31;
	s1 =	sadd.s32 s1, s30  }
0xc9: {  	s0 =	sor.u32 s4, s0;
	s1 =	sshll.u32 s1, $0x11  }
0xca: {  	s0 =	sor.u32 s1, s0  }
0xcb: {  	s0 =	sadd.s32 $0x8F2B, s0  }
0xcc: {  	[sflag:s0] =	ssyncadd.remote.s32 $0x1  }
0xcd: {  	_ =	sfence.sel $0xFFFF  }
0xce: {  	[dreg:$0x0] =	wrdreg $0xFFFFFFFF;
	(pc) =	sbr.abs _section_cstart, $3  }
0xcf: {  	[dreg:$0x1] =	wrdreg $0xFFFFFFFF  }
0xd0: {  	_ =	task.clear_ibuf [dreg:s22], $0x2FFFF;
	_ =	strace $0x9FFFFFFF  }
0xd1: {  	(tm) =	ssettm $0x7FFFFFFF  }
tec
execute0_lowered:
.L_overlay_start_1:
0x0: {  	(tag) =	ssettag $0x1  }
0x1: {  	s0 =	srdreg.scid  }
0x2: {  	s6 =	stileid.u32;
	s5 =	rddreg [dreg:$0x1];
	s29 =	simm.s32 $0x900  }
0x3: {  	s30 =	simm.s32 $0x1100;
	s0 =	sand.u32 $0x1, s0;
	s1 =	sshll.u32 s6, $0x1  }
0x4: {  	s31 =	simm.s32 $0x1900;
	s10 =	simm.s32 $0x2900;
	s1 =	sor.u32 s0, s1  }
0x5: {  	s20 =	simm.s32 $0x3100;
	s11 =	simm.s32 $0x3900;
	s2 =	smul.u32 $0x80040, s1  }
0x6: {  	s12 =	simm.s32 $0x4100;
	s9 =	simm.s32 $0x4900;
	s13 =	simm.s32 $0x5100  }
0x7: {  	s14 =	simm.s32 $0x5900;
	s3 =	smul.u32 $0xC0, s1;
	s4 =	sshrl.u32 s2, $0x16  }
0x8: {  	s15 =	simm.s32 $0x6100;
	s16 =	simm.s32 $0x6900;
	s4 =	smul.u32 $0x600, s4  }
0x9: {  	s17 =	simm.s32 $0x7100;
	s18 =	simm.s32 $0x7900;
	s19 =	simm.s32 $0x8100  }
0xa: {  	s21 =	simm.s32 $0x9100;
	s6 =	sshll.u32 s6, $0x9;
	s4 =	ssub.s32 s3, s4  }
0xb: {  	s22 =	simm.s32 $0x9900;
	s6 =	sand.u32 $0x1800, s6;
	s4 =	sand.u32 $0xFFC0, s4  }
0xc: {  	s0 =	ssub.s32 $0x2, s0;
	s23 =	smul.u32 $0x6000, s1;
	s4 =	sor.u32 s6, s4  }
0xd: {  	s1 =	smul.u32 $0x30000, s1;
	s7 =	sshrl.u32 s0, $0x1;
	s4 =	sadd.s32 $0x200, s4  }
0xe: {  	s0 =	ssub.s32 s0, s7;
	s2 =	rddreg [dreg:$0x0];
	s4 =	sshrl.u32 s4, $0x3  }
0xf: {  	s1 =	sshrl.u32 s1, $0x3;
	s3 =	simm.s32 $0x0;
	s4 =	sadd.s32 s4, s5  }
0x10: {  	[smem:$0x7FF] =	sst s3;
	s5 =	sadd.s32 $0x1A00, s5;
	s4 =	sadd.s32 $0x1600, s4  }
0x11: {  	_ =	strace $0x8000004A;
	s6 =	sadd.s32 s5, s23;
	[dreg:$0x3] =	wrdreg s4  }
0x12: {  	s1 =	sadd.s32 s5, s1;
	[dreg:$0x9] =	wrdreg s6;
	s24 =	sadd.s32 $0x1000, s6  }
0x13: {  	s8 =	smax.u32 s0, $0x1;
	s25 =	sadd.s32 $0x2000, s1;
	[dreg:$0x4] =	wrdreg s24  }
0x14: {  	s7 =	sadd.s32 $0x300, s2;
	s26 =	sadd.s32 $0x3000, s1;
	[dreg:$0x5] =	wrdreg s25  }
0x15: {  	s5 =	sadd.s32 $0x100, s2;
	s28 =	sadd.s32 $0x4000, s1;
	[dreg:$0x6] =	wrdreg s26  }
0x16: {  	v2 =	vlaneseq.u32;
	s23 =	simm.s32 $0xA100;
	s1 =	sadd.s32 $0x5000, s1;
	[dreg:$0x7] =	wrdreg s28  }
0x17: {  	vm0 =	vmmov $0xffff;
	v1 =	vshrl.u32 v2, $0x3;
	s6 =	sadd.s32 $0x200, s2;
	s4 =	simm.s32 $0x10100;
	[dreg:$0x8] =	wrdreg s1  }
0x18: {  	v0 =	vand.u32 $0x7, v2;
	v2 =	vor.u32 $0x8, v2;
	v1 =	vmul.u32 $0x8, v1;
	s24 =	simm.s32 $0xA900;
	s25 =	simm.s32 $0xB100;
	s26 =	simm.s32 $0xC100  }
.LBB2_1:
0x19: {  	s28 =	rddreg [dreg:$0x3];
	s0 =	simm.s32 $0xD  }
0x1a: {  	[tilespmem:s3], [sflag:$0xD] =	stream.linear.gather [hbm4b:s28+s3], $0xC0, $0x38;
	[tilespmem:$0x18100] =	vst v63  }
0x1b: {  	_ =	swait.ge [sflag:s0], $0xC0  }
0x1c: {  	[sflag:s0] =	ssyncset.done $0x0  }
0x1d: {  	[sflag:s0] =	ssyncadd.s32 $0xFFFFFF40  }
0x1e: {  	v3 =	vld [tilespmem:$0x0];
	_ =	sdelay $0x4  }
0x1f: {  	v4 =	vshll.u32 v3, $0x3  }
0x20: {  	v3 =	vand.u32 $0x7, v3;
	v4 =	vand.u32 $0xFFFFFFC0, v4  }
0x21: {  	v3 =	vor.u32 v3, v4  }
0x22: {  	v4 =	vperm.xlane v3, v0;
	_ =	sdelay $0x1  }
0x23: {  	v4 =	vadd.s32 v1, v4;
	_ =	sdelay $0x3  }
0x24: {  	s1 =	simm.s32 $0x100  }
0x25: {  	[tilespmem:s1], [sflag:$0x1] =	stream.indirect_vreg.gather [hbm4b:s2+s3], $0x80, v4, vm0, $0xb8;
	[tilespmem:$0x18100] =	vst v63  }
0x26: {  	v3 =	vperm.xlane v3, v2  }
0x27: {  	[tilespmem:s29], [sflag:$0x1] =	stream.indirect_vreg.gather [hbm4b:s5+s3], $0x80, v4, vm0, $0xb8;
	[tilespmem:$0x18100] =	vst v63  }
0x28: {  	v3 =	vadd.s32 v1, v3  }
0x29: {  	[tilespmem:s30], [sflag:$0x1] =	stream.indirect_vreg.gather [hbm4b:s6+s3], $0x80, v4, vm0, $0xb8;
	[tilespmem:$0x18100] =	vst v63  }
0x2a: {  	_ = 	snop  }
0x2b: {  	[tilespmem:s31], [sflag:$0x1] =	stream.indirect_vreg.gather [hbm4b:s7+s3], $0x80, v4, vm0, $0xb8;
	[tilespmem:$0x18100] =	vst v63  }
0x2c: {  	s1 =	simm.s32 $0x2100  }
0x2d: {  	[tilespmem:s1], [sflag:$0x1] =	stream.indirect_vreg.gather [hbm4b:s2+s3], $0x80, v3, vm0, $0xb8;
	[tilespmem:$0x18100] =	vst v63  }
0x2e: {  	_ = 	snop  }
0x2f: {  	[tilespmem:s10], [sflag:$0x1] =	stream.indirect_vreg.gather [hbm4b:s5+s3], $0x80, v3, vm0, $0xb8;
	[tilespmem:$0x18100] =	vst v63  }
0x30: {  	_ = 	snop  }
0x31: {  	[tilespmem:s20], [sflag:$0x1] =	stream.indirect_vreg.gather [hbm4b:s6+s3], $0x80, v3, vm0, $0xb8;
	[tilespmem:$0x18100] =	vst v63  }
0x32: {  	_ = 	snop  }
0x33: {  	[tilespmem:s11], [sflag:$0x1] =	stream.indirect_vreg.gather [hbm4b:s7+s3], $0x80, v3, vm0, $0xb8;
	[tilespmem:$0x18100] =	vst v63  }
0x34: {  	v3 =	vld [tilespmem:$0x10];
	_ =	sdelay $0x4  }
0x35: {  	v53 =	vshll.u32 v3, $0x3  }
0x36: {  	v3 =	vand.u32 $0x7, v3;
	v4 =	vand.u32 $0xFFFFFFC0, v53  }
0x37: {  	v3 =	vor.u32 v3, v4  }
0x38: {  	v4 =	vperm.xlane v3, v0;
	_ =	sdelay $0x1  }
0x39: {  	v4 =	vadd.s32 v1, v4;
	_ =	sdelay $0x4  }
0x3a: {  	[tilespmem:s12], [sflag:$0x1] =	stream.indirect_vreg.gather [hbm4b:s2+s3], $0x80, v4, vm0, $0xb8;
	[tilespmem:$0x18100] =	vst v63  }
0x3b: {  	v3 =	vperm.xlane v3, v2  }
0x3c: {  	[tilespmem:s9], [sflag:$0x1] =	stream.indirect_vreg.gather [hbm4b:s5+s3], $0x80, v4, vm0, $0xb8;
	[tilespmem:$0x18100] =	vst v63  }
0x3d: {  	v3 =	vadd.s32 v1, v3  }
0x3e: {  	[tilespmem:s13], [sflag:$0x1] =	stream.indirect_vreg.gather [hbm4b:s6+s3], $0x80, v4, vm0, $0xb8;
	[tilespmem:$0x18100] =	vst v63  }
0x3f: {  	_ = 	snop  }
0x40: {  	[tilespmem:s14], [sflag:$0x1] =	stream.indirect_vreg.gather [hbm4b:s7+s3], $0x80, v4, vm0, $0xb8;
	[tilespmem:$0x18100] =	vst v63  }
0x41: {  	_ = 	snop  }
0x42: {  	[tilespmem:s15], [sflag:$0x1] =	stream.indirect_vreg.gather [hbm4b:s2+s3], $0x80, v3, vm0, $0xb8;
	[tilespmem:$0x18100] =	vst v63  }
0x43: {  	_ = 	snop  }
0x44: {  	[tilespmem:s16], [sflag:$0x1] =	stream.indirect_vreg.gather [hbm4b:s5+s3], $0x80, v3, vm0, $0xb8;
	[tilespmem:$0x18100] =	vst v63  }
0x45: {  	_ = 	snop  }
0x46: {  	[tilespmem:s17], [sflag:$0x1] =	stream.indirect_vreg.gather [hbm4b:s6+s3], $0x80, v3, vm0, $0xb8;
	[tilespmem:$0x18100] =	vst v63  }
0x47: {  	_ = 	snop  }
0x48: {  	[tilespmem:s18], [sflag:$0x1] =	stream.indirect_vreg.gather [hbm4b:s7+s3], $0x80, v3, vm0, $0xb8;
	[tilespmem:$0x18100] =	vst v63  }
0x49: {  	v3 =	vld [tilespmem:$0x20];
	_ =	sdelay $0x4  }
0x4a: {  	v54 =	vshll.u32 v3, $0x3  }
0x4b: {  	v3 =	vand.u32 $0x7, v3;
	v4 =	vand.u32 $0xFFFFFFC0, v54  }
0x4c: {  	v3 =	vor.u32 v3, v4  }
0x4d: {  	v4 =	vperm.xlane v3, v0;
	_ =	sdelay $0x1  }
0x4e: {  	v4 =	vadd.s32 v1, v4;
	_ =	sdelay $0x4  }
0x4f: {  	[tilespmem:s19], [sflag:$0x2] =	stream.indirect_vreg.gather [hbm4b:s2+s3], $0x80, v4, vm0, $0xb8;
	[tilespmem:$0x18100] =	vst v63  }
0x50: {  	s28 =	simm.s32 $0x8900;
	v3 =	vperm.xlane v3, v2  }
0x51: {  	[tilespmem:s28], [sflag:$0x2] =	stream.indirect_vreg.gather [hbm4b:s5+s3], $0x80, v4, vm0, $0xb8;
	[tilespmem:$0x18100] =	vst v63  }
0x52: {  	v3 =	vadd.s32 v1, v3  }
0x53: {  	[tilespmem:s21], [sflag:$0x2] =	stream.indirect_vreg.gather [hbm4b:s6+s3], $0x80, v4, vm0, $0xb8;
	[tilespmem:$0x18100] =	vst v63  }
0x54: {  	_ = 	snop  }
0x55: {  	[tilespmem:s22], [sflag:$0x2] =	stream.indirect_vreg.gather [hbm4b:s7+s3], $0x80, v4, vm0, $0xb8;
	[tilespmem:$0x18100] =	vst v63  }
0x56: {  	_ = 	snop  }
0x57: {  	[tilespmem:s23], [sflag:$0x2] =	stream.indirect_vreg.gather [hbm4b:s2+s3], $0x80, v3, vm0, $0xb8;
	[tilespmem:$0x18100] =	vst v63  }
0x58: {  	_ = 	snop  }
0x59: {  	[tilespmem:s24], [sflag:$0x2] =	stream.indirect_vreg.gather [hbm4b:s5+s3], $0x80, v3, vm0, $0xb8;
	[tilespmem:$0x18100] =	vst v63  }
0x5a: {  	_ = 	snop  }
0x5b: {  	[tilespmem:s25], [sflag:$0x2] =	stream.indirect_vreg.gather [hbm4b:s6+s3], $0x80, v3, vm0, $0xb8;
	[tilespmem:$0x18100] =	vst v63  }
0x5c: {  	s28 =	simm.s32 $0xB900  }
0x5d: {  	[tilespmem:s28], [sflag:$0x2] =	stream.indirect_vreg.gather [hbm4b:s7+s3], $0x80, v3, vm0, $0xb8;
	[tilespmem:$0x18100] =	vst v63  }
0x5e: {  	v3 =	vld [tilespmem:$0x30];
	_ =	sdelay $0x4  }
0x5f: {  	v55 =	vshll.u32 v3, $0x3  }
0x60: {  	v3 =	vand.u32 $0x7, v3;
	v4 =	vand.u32 $0xFFFFFFC0, v55  }
0x61: {  	v3 =	vor.u32 v3, v4  }
0x62: {  	v4 =	vperm.xlane v3, v0;
	_ =	sdelay $0x1  }
0x63: {  	v4 =	vadd.s32 v1, v4;
	_ =	sdelay $0x4  }
0x64: {  	[tilespmem:s26], [sflag:$0x2] =	stream.indirect_vreg.gather [hbm4b:s2+s3], $0x80, v4, vm0, $0xb8;
	[tilespmem:$0x18100] =	vst v63  }
0x65: {  	s28 =	simm.s32 $0xC900;
	v3 =	vperm.xlane v3, v2  }
0x66: {  	[tilespmem:s28], [sflag:$0x2] =	stream.indirect_vreg.gather [hbm4b:s5+s3], $0x80, v4, vm0, $0xb8;
	[tilespmem:$0x18100] =	vst v63  }
0x67: {  	v3 =	vadd.s32 v1, v3;
	s28 =	simm.s32 $0xD100  }
0x68: {  	[tilespmem:s28], [sflag:$0x2] =	stream.indirect_vreg.gather [hbm4b:s6+s3], $0x80, v4, vm0, $0xb8;
	[tilespmem:$0x18100] =	vst v63  }
0x69: {  	s28 =	simm.s32 $0xD900  }
0x6a: {  	[tilespmem:s28], [sflag:$0x2] =	stream.indirect_vreg.gather [hbm4b:s7+s3], $0x80, v4, vm0, $0xb8;
	[tilespmem:$0x18100] =	vst v63  }
0x6b: {  	s28 =	simm.s32 $0xE100  }
0x6c: {  	[tilespmem:s28], [sflag:$0x2] =	stream.indirect_vreg.gather [hbm4b:s2+s3], $0x80, v3, vm0, $0xb8;
	[tilespmem:$0x18100] =	vst v63  }
0x6d: {  	s28 =	simm.s32 $0xE900  }
0x6e: {  	[tilespmem:s28], [sflag:$0x2] =	stream.indirect_vreg.gather [hbm4b:s5+s3], $0x80, v3, vm0, $0xb8;
	[tilespmem:$0x18100] =	vst v63  }
0x6f: {  	s28 =	simm.s32 $0xF100  }
0x70: {  	[tilespmem:s28], [sflag:$0x2] =	stream.indirect_vreg.gather [hbm4b:s6+s3], $0x80, v3, vm0, $0xb8;
	[tilespmem:$0x18100] =	vst v63  }
0x71: {  	s28 =	simm.s32 $0xF900  }
0x72: {  	[tilespmem:s28], [sflag:$0x2] =	stream.indirect_vreg.gather [hbm4b:s7+s3], $0x80, v3, vm0, $0xb8;
	[tilespmem:$0x18100] =	vst v63  }
0x73: {  	v3 =	vld [tilespmem:$0x40];
	_ =	sdelay $0x4  }
0x74: {  	v56 =	vshll.u32 v3, $0x3  }
0x75: {  	v3 =	vand.u32 $0x7, v3;
	v4 =	vand.u32 $0xFFFFFFC0, v56  }
0x76: {  	v3 =	vor.u32 v3, v4  }
0x77: {  	v4 =	vperm.xlane v3, v0;
	_ =	sdelay $0x1  }
0x78: {  	v4 =	vadd.s32 v1, v4;
	_ =	sdelay $0x4  }
0x79: {  	[tilespmem:s4], [sflag:$0x3] =	stream.indirect_vreg.gather [hbm4b:s2+s3], $0x80, v4, vm0, $0xb8;
	[tilespmem:$0x18100] =	vst v63  }
0x7a: {  	s28 =	simm.s32 $0x10900;
	v3 =	vperm.xlane v3, v2  }
0x7b: {  	[tilespmem:s28], [sflag:$0x3] =	stream.indirect_vreg.gather [hbm4b:s5+s3], $0x80, v4, vm0, $0xb8;
	[tilespmem:$0x18100] =	vst v63  }
0x7c: {  	v3 =	vadd.s32 v1, v3;
	s28 =	simm.s32 $0x11100  }
0x7d: {  	[tilespmem:s28], [sflag:$0x3] =	stream.indirect_vreg.gather [hbm4b:s6+s3], $0x80, v4, vm0, $0xb8;
	[tilespmem:$0x18100] =	vst v63  }
0x7e: {  	s28 =	simm.s32 $0x11900  }
0x7f: {  	[tilespmem:s28], [sflag:$0x3] =	stream.indirect_vreg.gather [hbm4b:s7+s3], $0x80, v4, vm0, $0xb8;
	[tilespmem:$0x18100] =	vst v63  }
0x80: {  	s28 =	simm.s32 $0x12100  }
0x81: {  	[tilespmem:s28], [sflag:$0x3] =	stream.indirect_vreg.gather [hbm4b:s2+s3], $0x80, v3, vm0, $0xb8;
	[tilespmem:$0x18100] =	vst v63  }
0x82: {  	s28 =	simm.s32 $0x12900  }
0x83: {  	[tilespmem:s28], [sflag:$0x3] =	stream.indirect_vreg.gather [hbm4b:s5+s3], $0x80, v3, vm0, $0xb8;
	[tilespmem:$0x18100] =	vst v63  }
0x84: {  	s28 =	simm.s32 $0x13100  }
0x85: {  	[tilespmem:s28], [sflag:$0x3] =	stream.indirect_vreg.gather [hbm4b:s6+s3], $0x80, v3, vm0, $0xb8;
	[tilespmem:$0x18100] =	vst v63  }
0x86: {  	s28 =	simm.s32 $0x13900  }
0x87: {  	[tilespmem:s28], [sflag:$0x3] =	stream.indirect_vreg.gather [hbm4b:s7+s3], $0x80, v3, vm0, $0xb8;
	[tilespmem:$0x18100] =	vst v63  }
0x88: {  	v3 =	vld [tilespmem:$0x50];
	_ =	sdelay $0x4  }
0x89: {  	v57 =	vshll.u32 v3, $0x3  }
0x8a: {  	v3 =	vand.u32 $0x7, v3;
	v4 =	vand.u32 $0xFFFFFFC0, v57  }
0x8b: {  	v3 =	vor.u32 v3, v4  }
0x8c: {  	v4 =	vperm.xlane v3, v0;
	_ =	sdelay $0x1  }
0x8d: {  	v4 =	vadd.s32 v1, v4;
	_ =	sdelay $0x3  }
0x8e: {  	s28 =	simm.s32 $0x14100  }
0x8f: {  	[tilespmem:s28], [sflag:$0x3] =	stream.indirect_vreg.gather [hbm4b:s2+s3], $0x80, v4, vm0, $0xb8;
	[tilespmem:$0x18100] =	vst v63  }
0x90: {  	v3 =	vperm.xlane v3, v2;
	s28 =	simm.s32 $0x14900  }
0x91: {  	[tilespmem:s28], [sflag:$0x3] =	stream.indirect_vreg.gather [hbm4b:s5+s3], $0x80, v4, vm0, $0xb8;
	[tilespmem:$0x18100] =	vst v63  }
0x92: {  	v3 =	vadd.s32 v1, v3;
	s28 =	simm.s32 $0x15100  }
0x93: {  	[tilespmem:s28], [sflag:$0x3] =	stream.indirect_vreg.gather [hbm4b:s6+s3], $0x80, v4, vm0, $0xb8;
	[tilespmem:$0x18100] =	vst v63  }
0x94: {  	s28 =	simm.s32 $0x15900  }
0x95: {  	[tilespmem:s28], [sflag:$0x3] =	stream.indirect_vreg.gather [hbm4b:s7+s3], $0x80, v4, vm0, $0xb8;
	[tilespmem:$0x18100] =	vst v63  }
0x96: {  	s28 =	simm.s32 $0x16100  }
0x97: {  	[tilespmem:s28], [sflag:$0x3] =	stream.indirect_vreg.gather [hbm4b:s2+s3], $0x80, v3, vm0, $0xb8;
	[tilespmem:$0x18100] =	vst v63  }
0x98: {  	s28 =	simm.s32 $0x16900  }
0x99: {  	[tilespmem:s28], [sflag:$0x3] =	stream.indirect_vreg.gather [hbm4b:s5+s3], $0x80, v3, vm0, $0xb8;
	[tilespmem:$0x18100] =	vst v63  }
0x9a: {  	s28 =	simm.s32 $0x17100  }
0x9b: {  	[tilespmem:s28], [sflag:$0x3] =	stream.indirect_vreg.gather [hbm4b:s6+s3], $0x80, v3, vm0, $0xb8;
	[tilespmem:$0x18100] =	vst v63  }
0x9c: {  	s0 =	simm.s32 $0x1;
	s28 =	simm.s32 $0x17900  }
0x9d: {  	[tilespmem:s28], [sflag:$0x3] =	stream.indirect_vreg.gather [hbm4b:s7+s3], $0x80, v3, vm0, $0xb8;
	[tilespmem:$0x18100] =	vst v63  }
0x9e: {  	_ =	swait.ge [sflag:s0], $0x8000  }
0x9f: {  	[sflag:s0] =	ssyncset.done $0x0  }
0xa0: {  	s28 =	rddreg [dreg:$0x9];
	[sflag:s0] =	ssyncadd.s32 $0xFFFF8000;
	s0 =	simm.s32 $0x100  }
0xa1: {  	[hbm4b:s28+s3] =	stream.linear.scatter [tilespmem:s0], [sflag:$0x7], $0x8000, $0x38;
	[tilespmem:$0x18100] =	vst v63  }
0xa2: {  	s28 =	simm.s32 $0x7  }
0xa3: {  	_ =	swait.ge [sflag:s28], $0x8000  }
0xa4: {  	[sflag:s28] =	ssyncset.done $0x0  }
0xa5: {  	[sflag:s28] =	ssyncadd.s32 $0xFFFF8000  }
0xa6: {  	v3 =	vld [tilespmem:$0x60];
	_ =	sdelay $0x4  }
0xa7: {  	v58 =	vshll.u32 v3, $0x3  }
0xa8: {  	v3 =	vand.u32 $0x7, v3;
	v4 =	vand.u32 $0xFFFFFFC0, v58  }
0xa9: {  	v3 =	vor.u32 v3, v4  }
0xaa: {  	v4 =	vperm.xlane v3, v0;
	_ =	sdelay $0x1  }
0xab: {  	v4 =	vadd.s32 v1, v4;
	_ =	sdelay $0x4  }
0xac: {  	[tilespmem:s0], [sflag:$0x4] =	stream.indirect_vreg.gather [hbm4b:s2+s3], $0x80, v4, vm0, $0xb8;
	[tilespmem:$0x18100] =	vst v63  }
0xad: {  	v3 =	vperm.xlane v3, v2  }
0xae: {  	[tilespmem:s29], [sflag:$0x4] =	stream.indirect_vreg.gather [hbm4b:s5+s3], $0x80, v4, vm0, $0xb8;
	[tilespmem:$0x18100] =	vst v63  }
0xaf: {  	v3 =	vadd.s32 v1, v3  }
0xb0: {  	[tilespmem:s30], [sflag:$0x4] =	stream.indirect_vreg.gather [hbm4b:s6+s3], $0x80, v4, vm0, $0xb8;
	[tilespmem:$0x18100] =	vst v63  }
0xb1: {  	_ = 	snop  }
0xb2: {  	[tilespmem:s31], [sflag:$0x4] =	stream.indirect_vreg.gather [hbm4b:s7+s3], $0x80, v4, vm0, $0xb8;
	[tilespmem:$0x18100] =	vst v63  }
0xb3: {  	_ = 	snop  }
0xb4: {  	[tilespmem:s1], [sflag:$0x4] =	stream.indirect_vreg.gather [hbm4b:s2+s3], $0x80, v3, vm0, $0xb8;
	[tilespmem:$0x18100] =	vst v63  }
0xb5: {  	_ = 	snop  }
0xb6: {  	[tilespmem:s10], [sflag:$0x4] =	stream.indirect_vreg.gather [hbm4b:s5+s3], $0x80, v3, vm0, $0xb8;
	[tilespmem:$0x18100] =	vst v63  }
0xb7: {  	_ = 	snop  }
0xb8: {  	[tilespmem:s20], [sflag:$0x4] =	stream.indirect_vreg.gather [hbm4b:s6+s3], $0x80, v3, vm0, $0xb8;
	[tilespmem:$0x18100] =	vst v63  }
0xb9: {  	_ = 	snop  }
0xba: {  	[tilespmem:s11], [sflag:$0x4] =	stream.indirect_vreg.gather [hbm4b:s7+s3], $0x80, v3, vm0, $0xb8;
	[tilespmem:$0x18100] =	vst v63  }
0xbb: {  	v3 =	vld [tilespmem:$0x70];
	_ =	sdelay $0x4  }
0xbc: {  	v59 =	vshll.u32 v3, $0x3  }
0xbd: {  	v3 =	vand.u32 $0x7, v3;
	v4 =	vand.u32 $0xFFFFFFC0, v59  }
0xbe: {  	v3 =	vor.u32 v3, v4  }
0xbf: {  	v4 =	vperm.xlane v3, v0;
	_ =	sdelay $0x1  }
0xc0: {  	v4 =	vadd.s32 v1, v4;
	_ =	sdelay $0x4  }
0xc1: {  	[tilespmem:s12], [sflag:$0x4] =	stream.indirect_vreg.gather [hbm4b:s2+s3], $0x80, v4, vm0, $0xb8;
	[tilespmem:$0x18100] =	vst v63  }
0xc2: {  	v3 =	vperm.xlane v3, v2  }
0xc3: {  	[tilespmem:s9], [sflag:$0x4] =	stream.indirect_vreg.gather [hbm4b:s5+s3], $0x80, v4, vm0, $0xb8;
	[tilespmem:$0x18100] =	vst v63  }
0xc4: {  	v3 =	vadd.s32 v1, v3  }
0xc5: {  	[tilespmem:s13], [sflag:$0x4] =	stream.indirect_vreg.gather [hbm4b:s6+s3], $0x80, v4, vm0, $0xb8;
	[tilespmem:$0x18100] =	vst v63  }
0xc6: {  	_ = 	snop  }
0xc7: {  	[tilespmem:s14], [sflag:$0x4] =	stream.indirect_vreg.gather [hbm4b:s7+s3], $0x80, v4, vm0, $0xb8;
	[tilespmem:$0x18100] =	vst v63  }
0xc8: {  	_ = 	snop  }
0xc9: {  	[tilespmem:s15], [sflag:$0x4] =	stream.indirect_vreg.gather [hbm4b:s2+s3], $0x80, v3, vm0, $0xb8;
	[tilespmem:$0x18100] =	vst v63  }
0xca: {  	_ = 	snop  }
0xcb: {  	[tilespmem:s16], [sflag:$0x4] =	stream.indirect_vreg.gather [hbm4b:s5+s3], $0x80, v3, vm0, $0xb8;
	[tilespmem:$0x18100] =	vst v63  }
0xcc: {  	_ = 	snop  }
0xcd: {  	[tilespmem:s17], [sflag:$0x4] =	stream.indirect_vreg.gather [hbm4b:s6+s3], $0x80, v3, vm0, $0xb8;
	[tilespmem:$0x18100] =	vst v63  }
0xce: {  	s1 =	simm.s32 $0x2  }
0xcf: {  	[tilespmem:s18], [sflag:$0x4] =	stream.indirect_vreg.gather [hbm4b:s7+s3], $0x80, v3, vm0, $0xb8;
	[tilespmem:$0x18100] =	vst v63  }
0xd0: {  	_ =	swait.ge [sflag:s1], $0x8000  }
0xd1: {  	[sflag:s1] =	ssyncset.done $0x0  }
0xd2: {  	s0 =	rddreg [dreg:$0x4];
	[sflag:s1] =	ssyncadd.s32 $0xFFFF8000  }
0xd3: {  	[hbm4b:s0+s3] =	stream.linear.scatter [tilespmem:s19], [sflag:$0x8], $0x8000, $0x38;
	[tilespmem:$0x18100] =	vst v63  }
0xd4: {  	s0 =	simm.s32 $0x8  }
0xd5: {  	_ =	swait.ge [sflag:s0], $0x8000  }
0xd6: {  	[sflag:s0] =	ssyncset.done $0x0  }
0xd7: {  	[sflag:s0] =	ssyncadd.s32 $0xFFFF8000  }
0xd8: {  	v3 =	vld [tilespmem:$0x80];
	_ =	sdelay $0x4  }
0xd9: {  	v60 =	vshll.u32 v3, $0x3  }
0xda: {  	v3 =	vand.u32 $0x7, v3;
	v4 =	vand.u32 $0xFFFFFFC0, v60  }
0xdb: {  	v3 =	vor.u32 v3, v4  }
0xdc: {  	v4 =	vperm.xlane v3, v0;
	_ =	sdelay $0x1  }
0xdd: {  	v4 =	vadd.s32 v1, v4;
	_ =	sdelay $0x4  }
0xde: {  	[tilespmem:s19], [sflag:$0x5] =	stream.indirect_vreg.gather [hbm4b:s2+s3], $0x80, v4, vm0, $0xb8;
	[tilespmem:$0x18100] =	vst v63  }
0xdf: {  	s28 =	simm.s32 $0x8900;
	v3 =	vperm.xlane v3, v2  }
0xe0: {  	[tilespmem:s28], [sflag:$0x5] =	stream.indirect_vreg.gather [hbm4b:s5+s3], $0x80, v4, vm0, $0xb8;
	[tilespmem:$0x18100] =	vst v63  }
0xe1: {  	v3 =	vadd.s32 v1, v3  }
0xe2: {  	[tilespmem:s21], [sflag:$0x5] =	stream.indirect_vreg.gather [hbm4b:s6+s3], $0x80, v4, vm0, $0xb8;
	[tilespmem:$0x18100] =	vst v63  }
0xe3: {  	_ = 	snop  }
0xe4: {  	[tilespmem:s22], [sflag:$0x5] =	stream.indirect_vreg.gather [hbm4b:s7+s3], $0x80, v4, vm0, $0xb8;
	[tilespmem:$0x18100] =	vst v63  }
0xe5: {  	_ = 	snop  }
0xe6: {  	[tilespmem:s23], [sflag:$0x5] =	stream.indirect_vreg.gather [hbm4b:s2+s3], $0x80, v3, vm0, $0xb8;
	[tilespmem:$0x18100] =	vst v63  }
0xe7: {  	_ = 	snop  }
0xe8: {  	[tilespmem:s24], [sflag:$0x5] =	stream.indirect_vreg.gather [hbm4b:s5+s3], $0x80, v3, vm0, $0xb8;
	[tilespmem:$0x18100] =	vst v63  }
0xe9: {  	_ = 	snop  }
0xea: {  	[tilespmem:s25], [sflag:$0x5] =	stream.indirect_vreg.gather [hbm4b:s6+s3], $0x80, v3, vm0, $0xb8;
	[tilespmem:$0x18100] =	vst v63  }
0xeb: {  	s1 =	simm.s32 $0xB900  }
0xec: {  	[tilespmem:s1], [sflag:$0x5] =	stream.indirect_vreg.gather [hbm4b:s7+s3], $0x80, v3, vm0, $0xb8;
	[tilespmem:$0x18100] =	vst v63  }
0xed: {  	v3 =	vld [tilespmem:$0x90];
	_ =	sdelay $0x4  }
0xee: {  	v61 =	vshll.u32 v3, $0x3  }
0xef: {  	v3 =	vand.u32 $0x7, v3;
	v4 =	vand.u32 $0xFFFFFFC0, v61  }
0xf0: {  	v3 =	vor.u32 v3, v4  }
0xf1: {  	v4 =	vperm.xlane v3, v0;
	_ =	sdelay $0x1  }
0xf2: {  	v4 =	vadd.s32 v1, v4;
	_ =	sdelay $0x4  }
0xf3: {  	[tilespmem:s26], [sflag:$0x5] =	stream.indirect_vreg.gather [hbm4b:s2+s3], $0x80, v4, vm0, $0xb8;
	[tilespmem:$0x18100] =	vst v63  }
0xf4: {  	s28 =	simm.s32 $0xC900;
	v3 =	vperm.xlane v3, v2  }
0xf5: {  	[tilespmem:s28], [sflag:$0x5] =	stream.indirect_vreg.gather [hbm4b:s5+s3], $0x80, v4, vm0, $0xb8;
	[tilespmem:$0x18100] =	vst v63  }
0xf6: {  	s1 =	simm.s32 $0xD100;
	v3 =	vadd.s32 v1, v3  }
0xf7: {  	[tilespmem:s1], [sflag:$0x5] =	stream.indirect_vreg.gather [hbm4b:s6+s3], $0x80, v4, vm0, $0xb8;
	[tilespmem:$0x18100] =	vst v63  }
0xf8: {  	s28 =	simm.s32 $0xD900  }
0xf9: {  	[tilespmem:s28], [sflag:$0x5] =	stream.indirect_vreg.gather [hbm4b:s7+s3], $0x80, v4, vm0, $0xb8;
	[tilespmem:$0x18100] =	vst v63  }
0xfa: {  	s1 =	simm.s32 $0xE100  }
0xfb: {  	[tilespmem:s1], [sflag:$0x5] =	stream.indirect_vreg.gather [hbm4b:s2+s3], $0x80, v3, vm0, $0xb8;
	[tilespmem:$0x18100] =	vst v63  }
0xfc: {  	s28 =	simm.s32 $0xE900  }
0xfd: {  	[tilespmem:s28], [sflag:$0x5] =	stream.indirect_vreg.gather [hbm4b:s5+s3], $0x80, v3, vm0, $0xb8;
	[tilespmem:$0x18100] =	vst v63  }
0xfe: {  	s1 =	simm.s32 $0xF100  }
0xff: {  	[tilespmem:s1], [sflag:$0x5] =	stream.indirect_vreg.gather [hbm4b:s6+s3], $0x80, v3, vm0, $0xb8;
	[tilespmem:$0x18100] =	vst v63  }
0x100: {  	s28 =	simm.s32 $0xF900;
	s1 =	simm.s32 $0x3  }
0x101: {  	[tilespmem:s28], [sflag:$0x5] =	stream.indirect_vreg.gather [hbm4b:s7+s3], $0x80, v3, vm0, $0xb8;
	[tilespmem:$0x18100] =	vst v63  }
0x102: {  	_ =	swait.ge [sflag:s1], $0x8000  }
0x103: {  	[sflag:s1] =	ssyncset.done $0x0  }
0x104: {  	s0 =	rddreg [dreg:$0x5];
	[sflag:s1] =	ssyncadd.s32 $0xFFFF8000  }
0x105: {  	[hbm4b:s0+s3] =	stream.linear.scatter [tilespmem:s4], [sflag:$0x9], $0x8000, $0x38;
	[tilespmem:$0x18100] =	vst v63  }
0x106: {  	s0 =	simm.s32 $0x9  }
0x107: {  	_ =	swait.ge [sflag:s0], $0x8000  }
0x108: {  	[sflag:s0] =	ssyncset.done $0x0  }
0x109: {  	[sflag:s0] =	ssyncadd.s32 $0xFFFF8000  }
0x10a: {  	v3 =	vld [tilespmem:$0xA0];
	_ =	sdelay $0x4  }
0x10b: {  	v62 =	vshll.u32 v3, $0x3  }
0x10c: {  	v3 =	vand.u32 $0x7, v3;
	v4 =	vand.u32 $0xFFFFFFC0, v62  }
0x10d: {  	v3 =	vor.u32 v3, v4  }
0x10e: {  	v4 =	vperm.xlane v3, v0;
	_ =	sdelay $0x1  }
0x10f: {  	v4 =	vadd.s32 v1, v4;
	_ =	sdelay $0x4  }
0x110: {  	[tilespmem:s4], [sflag:$0x6] =	stream.indirect_vreg.gather [hbm4b:s2+s3], $0x80, v4, vm0, $0xb8;
	[tilespmem:$0x18100] =	vst v63  }
0x111: {  	s28 =	simm.s32 $0x10900;
	v3 =	vperm.xlane v3, v2  }
0x112: {  	[tilespmem:s28], [sflag:$0x6] =	stream.indirect_vreg.gather [hbm4b:s5+s3], $0x80, v4, vm0, $0xb8;
	[tilespmem:$0x18100] =	vst v63  }
0x113: {  	s1 =	simm.s32 $0x11100;
	v3 =	vadd.s32 v1, v3  }
0x114: {  	[tilespmem:s1], [sflag:$0x6] =	stream.indirect_vreg.gather [hbm4b:s6+s3], $0x80, v4, vm0, $0xb8;
	[tilespmem:$0x18100] =	vst v63  }
0x115: {  	s28 =	simm.s32 $0x11900  }
0x116: {  	[tilespmem:s28], [sflag:$0x6] =	stream.indirect_vreg.gather [hbm4b:s7+s3], $0x80, v4, vm0, $0xb8;
	[tilespmem:$0x18100] =	vst v63  }
0x117: {  	s1 =	simm.s32 $0x12100  }
0x118: {  	[tilespmem:s1], [sflag:$0x6] =	stream.indirect_vreg.gather [hbm4b:s2+s3], $0x80, v3, vm0, $0xb8;
	[tilespmem:$0x18100] =	vst v63  }
0x119: {  	s28 =	simm.s32 $0x12900  }
0x11a: {  	[tilespmem:s28], [sflag:$0x6] =	stream.indirect_vreg.gather [hbm4b:s5+s3], $0x80, v3, vm0, $0xb8;
	[tilespmem:$0x18100] =	vst v63  }
0x11b: {  	s1 =	simm.s32 $0x13100  }
0x11c: {  	[tilespmem:s1], [sflag:$0x6] =	stream.indirect_vreg.gather [hbm4b:s6+s3], $0x80, v3, vm0, $0xb8;
	[tilespmem:$0x18100] =	vst v63  }
0x11d: {  	s28 =	simm.s32 $0x13900  }
0x11e: {  	[tilespmem:s28], [sflag:$0x6] =	stream.indirect_vreg.gather [hbm4b:s7+s3], $0x80, v3, vm0, $0xb8;
	[tilespmem:$0x18100] =	vst v63  }
0x11f: {  	v3 =	vld [tilespmem:$0xB0];
	_ =	sdelay $0x4  }
0x120: {  	v63 =	vshll.u32 v3, $0x3  }
0x121: {  	v3 =	vand.u32 $0x7, v3;
	v4 =	vand.u32 $0xFFFFFFC0, v63  }
0x122: {  	v3 =	vor.u32 v3, v4  }
0x123: {  	v4 =	vperm.xlane v3, v0;
	_ =	sdelay $0x1  }
0x124: {  	v4 =	vadd.s32 v1, v4;
	_ =	sdelay $0x3  }
0x125: {  	s1 =	simm.s32 $0x14100  }
0x126: {  	[tilespmem:s1], [sflag:$0x6] =	stream.indirect_vreg.gather [hbm4b:s2+s3], $0x80, v4, vm0, $0xb8;
	[tilespmem:$0x18100] =	vst v63  }
0x127: {  	s28 =	simm.s32 $0x14900;
	v3 =	vperm.xlane v3, v2  }
0x128: {  	[tilespmem:s28], [sflag:$0x6] =	stream.indirect_vreg.gather [hbm4b:s5+s3], $0x80, v4, vm0, $0xb8;
	[tilespmem:$0x18100] =	vst v63  }
0x129: {  	v3 =	vadd.s32 v1, v3;
	s1 =	simm.s32 $0x15100  }
0x12a: {  	[tilespmem:s1], [sflag:$0x6] =	stream.indirect_vreg.gather [hbm4b:s6+s3], $0x80, v4, vm0, $0xb8;
	[tilespmem:$0x18100] =	vst v63  }
0x12b: {  	s28 =	simm.s32 $0x15900  }
0x12c: {  	[tilespmem:s28], [sflag:$0x6] =	stream.indirect_vreg.gather [hbm4b:s7+s3], $0x80, v4, vm0, $0xb8;
	[tilespmem:$0x18100] =	vst v63  }
0x12d: {  	s1 =	simm.s32 $0x16100  }
0x12e: {  	[tilespmem:s1], [sflag:$0x6] =	stream.indirect_vreg.gather [hbm4b:s2+s3], $0x80, v3, vm0, $0xb8;
	[tilespmem:$0x18100] =	vst v63  }
0x12f: {  	s28 =	simm.s32 $0x16900  }
0x130: {  	[tilespmem:s28], [sflag:$0x6] =	stream.indirect_vreg.gather [hbm4b:s5+s3], $0x80, v3, vm0, $0xb8;
	[tilespmem:$0x18100] =	vst v63  }
0x131: {  	s1 =	simm.s32 $0x17100  }
0x132: {  	[tilespmem:s1], [sflag:$0x6] =	stream.indirect_vreg.gather [hbm4b:s6+s3], $0x80, v3, vm0, $0xb8;
	[tilespmem:$0x18100] =	vst v63  }
0x133: {  	s28 =	simm.s32 $0x17900;
	s1 =	simm.s32 $0x4  }
0x134: {  	[tilespmem:s28], [sflag:$0x6] =	stream.indirect_vreg.gather [hbm4b:s7+s3], $0x80, v3, vm0, $0xb8;
	[tilespmem:$0x18100] =	vst v63  }
0x135: {  	_ =	swait.ge [sflag:s1], $0x8000  }
0x136: {  	[sflag:s1] =	ssyncset.done $0x0  }
0x137: {  	s0 =	rddreg [dreg:$0x6];
	[sflag:s1] =	ssyncadd.s32 $0xFFFF8000;
	s1 =	simm.s32 $0x100  }
0x138: {  	[hbm4b:s0+s3] =	stream.linear.scatter [tilespmem:s1], [sflag:$0xA], $0x8000, $0x38;
	[tilespmem:$0x18100] =	vst v63  }
0x139: {  	s1 =	simm.s32 $0x5  }
0x13a: {  	_ =	swait.ge [sflag:s1], $0x8000  }
0x13b: {  	[sflag:s1] =	ssyncset.done $0x0  }
0x13c: {  	s0 =	rddreg [dreg:$0x7];
	[sflag:s1] =	ssyncadd.s32 $0xFFFF8000;
	s1 =	simm.s32 $0x6  }
0x13d: {  	[hbm4b:s0+s3] =	stream.linear.scatter [tilespmem:s19], [sflag:$0xB], $0x8000, $0x38;
	[tilespmem:$0x18100] =	vst v63  }
0x13e: {  	_ =	swait.ge [sflag:s1], $0x8000  }
0x13f: {  	[sflag:s1] =	ssyncset.done $0x0  }
0x140: {  	s28 =	simm.s32 $0xA;
	s0 =	rddreg [dreg:$0x8];
	[sflag:s1] =	ssyncadd.s32 $0xFFFF8000  }
0x141: {  	[hbm4b:s0+s3] =	stream.linear.scatter [tilespmem:s4], [sflag:$0xC], $0x8000, $0x38;
	[tilespmem:$0x18100] =	vst v63  }
0x142: {  	_ =	swait.ge [sflag:s28], $0x8000  }
0x143: {  	[sflag:s28] =	ssyncset.done $0x0  }
0x144: {  	s1 =	simm.s32 $0xB;
	[sflag:s28] =	ssyncadd.s32 $0xFFFF8000  }
0x145: {  	p0 =	sne.s32 s8, $0x1;
	_ =	swait.ge [sflag:s1], $0x8000  }
.Ltmp0:
0x146: {  	[sflag:s1] =	ssyncset.done $0x0;
	(pc) =	sbr.rel @p0 .LBB2_1-.Ltmp0, $4  }
0x147: {  	s28 =	simm.s32 $0xC;
	[sflag:s1] =	ssyncadd.s32 $0xFFFF8000  }
0x148: {  	_ =	swait.ge [sflag:s28], $0x8000  }
0x149: {  	[sflag:s28] =	ssyncset.done $0x0  }
0x14a: {  	s8 =	sadd.s32 $0xFFFFFFFF, s8;
	[sflag:s28] =	ssyncadd.s32 $0xFFFF8000  }
0x14b: {  	_ =	sfence.sel $0x180000  }
0x14c: {  	[bflag:$0x0] =	sbarrier.arrive $0xFFFF  }
0x14d: {  	_ =	strace $0x9000004A  }
0x14e: {  	s0 =	stileid.u32;
	[bflag:$0x2] =	sbarrier.arrive $0xFFFF  }
0x14f: {  	p0 =	sne.s32 s0, $0x0;
	s0 =	rddreg [dreg:$0x2]  }
0x150: {  	s0 =	sadd.s32 @!p0 $0x100000, s0  }
0x151: {  	[sflag:s0] =	ssyncadd.tile.s32 @!p0 $0x1;
	_ =	shalt  }
.Lfunc_end2:
_tile_overlayer_lowered:
.L_overlay_start_2:
0x152: {  	(tag) =	ssettag $0x2  }
0x153: {  	s0 =	rddreg [dreg:$0x0];
	s2 =	stileid.u32  }
0x154: {  	s1 =	rddreg [dreg:$0x1];
	p0 =	sne.s32 s2, $0x0  }
0x155: {  	s3 =	rddreg [dreg:$0x2];
	[bflag:$0x3] =	sbarrier.arrive $0xFFFF;
	s2 =	simm.s32 @!p0 $0x1C0D  }
0x156: {  	[timem:s3], [sflag:s2] =	dma.local @!p0 [hbm:s0], s1  }
0x157: {  	s0 =	simm.s32 @!p0 $0xD  }
0x158: {  	_ =	swait.ge @!p0 [sflag:s0], s1  }
0x159: {  	s1 =	ssub.s32 @!p0 $0x0, s1;
	[sflag:s0] =	ssyncset.done @!p0 $0x0  }
0x15a: {  	[sflag:s0] =	ssyncadd.s32 @!p0 s1  }
0x15b: {  	[bflag:$0x3] =	sbarrier.arrive $0xFFFF  }
0x15c: {  	_ =	shalt  }

</sc_bundles>
